<compile_context>
chip_gen: v7x
topology: tpu7x:2x2x1
jax: 0.10.2.dev20260603
libtpu: 0.0.44.dev20260713+nightly
codegen_flags: <defaults>
</compile_context>

<pallas_src>
import functools

import jax
import jax.numpy as jnp
from jax import lax
from jax.experimental import pallas as pl
from jax.experimental.pallas import tpu as pltpu
from jax.experimental.pallas import tpu_sc as plsc

N = 5000
NPAD = 5120
TIB = 1024
TJ = 512
NJT = NPAD // TJ
CONF_BAR = 0.1
NMS_RADIUS = 0.01
TOPK = 512
NW = 32
CHUNK = NPAD // NW
L = 16

_MESH = plsc.VectorSubcoreMesh(core_axis_name="c", subcore_axis_name="s")


def _wid():
    return lax.axis_index("s") * 2 + lax.axis_index("c")



def _sc_gather_body(nn1_hbm, nn2_hbm, a2_hbm, b2_hbm, sc_hbm,
                    smc_out, a2g_out, b2g_out,
                    nn2_v, a2_v, b2_v, nn1_v, sc_v, smc_v, a2g_v, b2g_v):
    wid = _wid()
    base = wid * CHUNK
    pltpu.sync_copy(nn2_hbm, nn2_v)
    pltpu.sync_copy(a2_hbm, a2_v)
    pltpu.sync_copy(b2_hbm, b2_v)
    pltpu.sync_copy(nn1_hbm.at[pl.ds(base, CHUNK)], nn1_v)
    pltpu.sync_copy(sc_hbm.at[pl.ds(base, CHUNK)], sc_v)

    def chunk(k, carry):
        sl = pl.ds(k * L, L)
        idx = nn1_v[sl]
        back = plsc.load_gather(nn2_v, [idx])
        iv = base + k * L + lax.iota(jnp.int32, L)
        smc_v[sl] = jnp.where(back != iv, -1.0, sc_v[sl])
        a2g_v[sl] = plsc.load_gather(a2_v, [idx])
        b2g_v[sl] = plsc.load_gather(b2_v, [idx])
        return carry

    lax.fori_loop(0, CHUNK // L, chunk, 0)
    pltpu.sync_copy(smc_v, smc_out.at[pl.ds(base, CHUNK)])
    pltpu.sync_copy(a2g_v, a2g_out.at[pl.ds(base, CHUNK)])
    pltpu.sync_copy(b2g_v, b2g_out.at[pl.ds(base, CHUNK)])


_sc_gather = functools.partial(
    pl.kernel, _sc_gather_body,
    out_type=[jax.ShapeDtypeStruct((NPAD,), jnp.float32)] * 3,
    mesh=_MESH,
    compiler_params=pltpu.CompilerParams(needs_layout_passes=False),
    scratch_types=[
        pltpu.VMEM((N,), jnp.int32),
        pltpu.VMEM((N,), jnp.float32),
        pltpu.VMEM((N,), jnp.float32),
        pltpu.VMEM((CHUNK,), jnp.int32),
        pltpu.VMEM((CHUNK,), jnp.float32),
        pltpu.VMEM((CHUNK,), jnp.float32),
        pltpu.VMEM((CHUNK,), jnp.float32),
        pltpu.VMEM((CHUNK,), jnp.float32),
    ],
)()


def _sc_compact_body(smc_hbm, a1_hbm, b1_hbm, a2g_hbm, b2g_hbm,
                     ja_out, sa_out, a1a_out, b1a_out, a2a_out, b2a_out,
                     kc_out,
                     s_v, a1_v, b1_v, a2_v, b2_v,
                     ja_v, sa_v, a1a_v, b1a_v, a2a_v, b2a_v, kc_v):
    @pl.when(_wid() == 0)
    def _():
        pltpu.sync_copy(smc_hbm, s_v)
        pltpu.sync_copy(a1_hbm, a1_v)
        pltpu.sync_copy(b1_hbm, b1_v)
        pltpu.sync_copy(a2g_hbm, a2_v)
        pltpu.sync_copy(b2g_hbm, b2_v)

        zi = jnp.zeros((L,), jnp.int32)
        zf = jnp.zeros((L,), jnp.float32)

        def fill(k, carry):
            sl = pl.ds(k * L, L)
            ja_v[sl] = zi
            sa_v[sl] = zf - 3.0
            a1a_v[sl] = zf
            return carry

        lax.fori_loop(0, NPAD // L, fill, 0)

        def compact(k, c):
            sl = pl.ds(k * L, L)
            sv = s_v[sl]
            m = sv >= CONF_BAR
            mi = m.astype(jnp.int32)
            incl = plsc.cumsum(mi)
            slot = c + incl - mi
            iv = k * L + lax.iota(jnp.int32, L)
            plsc.store_scatter(ja_v, [slot], iv, mask=m)
            plsc.store_scatter(sa_v, [slot], sv, mask=m)
            plsc.store_scatter(a1a_v, [slot], a1_v[sl], mask=m)
            plsc.store_scatter(b1a_v, [slot], b1_v[sl], mask=m)
            plsc.store_scatter(a2a_v, [slot], a2_v[sl], mask=m)
            plsc.store_scatter(b2a_v, [slot], b2_v[sl], mask=m)
            return c + jnp.sum(mi)

        kcount = lax.fori_loop(0, NPAD // L, compact, jnp.int32(0))
        kc_v[...] = jnp.zeros((L,), jnp.int32) + kcount
        pltpu.sync_copy(ja_v, ja_out)
        pltpu.sync_copy(sa_v, sa_out)
        pltpu.sync_copy(a1a_v, a1a_out)
        pltpu.sync_copy(b1a_v, b1a_out)
        pltpu.sync_copy(a2a_v, a2a_out)
        pltpu.sync_copy(b2a_v, b2a_out)
        pltpu.sync_copy(kc_v, kc_out)


_sc_compact = functools.partial(
    pl.kernel, _sc_compact_body,
    out_type=[jax.ShapeDtypeStruct((NPAD,), jnp.int32)]
    + [jax.ShapeDtypeStruct((NPAD,), jnp.float32)] * 5
    + [jax.ShapeDtypeStruct((L,), jnp.int32)],
    mesh=_MESH,
    compiler_params=pltpu.CompilerParams(needs_layout_passes=False),
    scratch_types=[
        pltpu.VMEM((NPAD,), jnp.float32),
        pltpu.VMEM((NPAD,), jnp.float32),
        pltpu.VMEM((NPAD,), jnp.float32),
        pltpu.VMEM((NPAD,), jnp.float32),
        pltpu.VMEM((NPAD,), jnp.float32),
        pltpu.VMEM((NPAD,), jnp.int32),
        pltpu.VMEM((NPAD,), jnp.float32),
        pltpu.VMEM((NPAD,), jnp.float32),
        pltpu.VMEM((NPAD,), jnp.float32),
        pltpu.VMEM((NPAD,), jnp.float32),
        pltpu.VMEM((NPAD,), jnp.float32),
        pltpu.VMEM((L,), jnp.int32),
    ],
)()


def _sc_fgather_body(f_hbm, ja_hbm, kc_hbm, fa_out,
                     f_v, ja_v, kc_v, fa_v):
    wid = _wid()
    base = wid * CHUNK
    pltpu.sync_copy(f_hbm, f_v)
    pltpu.sync_copy(ja_hbm.at[pl.ds(base, CHUNK)], ja_v)
    pltpu.sync_copy(kc_hbm, kc_v)
    kvec = kc_v[...]

    def chunk(k, carry):
        sl = pl.ds(k * L, L)
        jv = ja_v[sl]
        kg = base + k * L + lax.iota(jnp.int32, L)
        m = kg < kvec
        vals = plsc.load_gather(f_v, [jnp.where(m, jv, 0)])
        fa_v[sl] = jnp.where(m, vals, -3.0)
        return carry

    lax.fori_loop(0, CHUNK // L, chunk, 0)
    pltpu.sync_copy(fa_v, fa_out.at[pl.ds(base, CHUNK)])


_sc_fgather = functools.partial(
    pl.kernel, _sc_fgather_body,
    out_type=jax.ShapeDtypeStruct((NPAD,), jnp.float32),
    mesh=_MESH,
    compiler_params=pltpu.CompilerParams(needs_layout_passes=False),
    scratch_types=[
        pltpu.VMEM((NPAD,), jnp.float32),
        pltpu.VMEM((CHUNK,), jnp.int32),
        pltpu.VMEM((L,), jnp.int32),
        pltpu.VMEM((CHUNK,), jnp.float32),
    ],
)()


def _sc_seeds_body(rank_hbm, nn1_hbm, s1_out, s2_out,
                   r_v, n_v, s1_v, s2_v):
    @pl.when(_wid() == 0)
    def _():
        pltpu.sync_copy(rank_hbm, r_v)
        pltpu.sync_copy(nn1_hbm, n_v)

        def chunk(k, carry):
            sl = pl.ds(k * L, L)
            rv = r_v[sl]
            iv = k * L + lax.iota(jnp.int32, L)
            m = (iv < N) & (rv < TOPK)
            plsc.store_scatter(s1_v, [rv], iv, mask=m)
            plsc.store_scatter(s2_v, [rv], n_v[sl], mask=m)
            return carry

        lax.fori_loop(0, NPAD // L, chunk, 0)
        pltpu.sync_copy(s1_v.at[pl.ds(0, TOPK)], s1_out)
        pltpu.sync_copy(s2_v.at[pl.ds(0, TOPK)], s2_out)


_sc_seeds = functools.partial(
    pl.kernel, _sc_seeds_body,
    out_type=[jax.ShapeDtypeStruct((TOPK,), jnp.int32)] * 2,
    mesh=_MESH,
    compiler_params=pltpu.CompilerParams(needs_layout_passes=False),
    scratch_types=[
        pltpu.VMEM((NPAD,), jnp.int32),
        pltpu.VMEM((NPAD,), jnp.int32),
        pltpu.VMEM((NPAD,), jnp.int32),
        pltpu.VMEM((NPAD,), jnp.int32),
    ],
)()



TB = 512
NB = NPAD // TB
_TRI = [(ib, jb) for ib in range(NB) for jb in range(NB) if jb >= ib]
NTRI = len(_TRI)


def _sums_body(ib_ref, jb_ref, a1c, b1c, a2c, b2c, a1r, b1r, a2r, b2r,
               s1_ref, s2_ref):
    t = pl.program_id(0)
    ib = ib_ref[t]
    jb = jb_ref[t]
    ii = ib * TB + jax.lax.broadcasted_iota(jnp.int32, (TB, 1), 0)
    jj = jb * TB + jax.lax.broadcasted_iota(jnp.int32, (1, TB), 1)
    valid = (ii < jj) & (jj < N)
    a1cv, b1cv = a1c[...], b1c[...]
    a2cv, b2cv = a2c[...], b2c[...]
    a1rv, b1rv = a1r[...], b1r[...]
    a2rv, b2rv = a2r[...], b2r[...]
    q1 = (a1cv * a1cv + b1cv * b1cv) + (a1rv * a1rv + b1rv * b1rv) \
        - 2.0 * (a1cv * a1rv + b1cv * b1rv)
    q2 = (a2cv * a2cv + b2cv * b2cv) + (a2rv * a2rv + b2rv * b2rv) \
        - 2.0 * (a2cv * a2rv + b2cv * b2rv)
    d1 = jnp.sqrt(jnp.abs(q1))
    d2 = jnp.sqrt(jnp.abs(q2))
    t1 = jnp.sum(jnp.where(valid, d1, 0.0))
    t2 = jnp.sum(jnp.where(valid, d2, 0.0))

    @pl.when(t == 0)
    def _():
        s1_ref[0, 0] = 0.0
        s2_ref[0, 0] = 0.0

    s1_ref[0, 0] += t1
    s2_ref[0, 0] += t2


def _suppress_body(a1c, b1c, a2c, b2c, sc, a1a, b1a, a2a, b2a, sa,
                   nt, r1sq, r2sq, out_ref):
    i = pl.program_id(0)
    ii = i * TIB + jax.lax.broadcasted_iota(jnp.int32, (TIB, 1), 0)
    ivalid = ii < N
    a1cv, b1cv = a1c[...], b1c[...]
    a2cv, b2cv = a2c[...], b2c[...]
    scv = sc[...]
    r1s = r1sq[0, 0]
    r2s = r2sq[0, 0]

    def body(t, supp):
        a1rv = a1a[t]
        b1rv = b1a[t]
        a2rv = a2a[t]
        b2rv = b2a[t]
        srv = sa[t]
        q1 = jnp.abs((a1cv * a1cv + b1cv * b1cv) + (a1rv * a1rv + b1rv * b1rv)
                     - 2.0 * (a1cv * a1rv + b1cv * b1rv))
        q2 = jnp.abs((a2cv * a2cv + b2cv * b2cv) + (a2rv * a2rv + b2rv * b2rv)
                     - 2.0 * (a2cv * a2rv + b2cv * b2rv))
        close = (q1 < r1s) | (q2 < r2s)
        hit = jnp.any((srv > scv) & close, axis=1, keepdims=True)
        return jnp.maximum(supp, hit.astype(jnp.float32))

    supp_f = jax.lax.fori_loop(0, nt[0, 0], body,
                               jnp.zeros((TIB, 1), dtype=jnp.float32))
    supp = supp_f > 0.0
    final = jnp.where(ivalid & (scv >= CONF_BAR) & ~supp, scv,
                      jnp.where(ivalid, -1.0, -2.0))
    out_ref[...] = final


def _rank_body(fc, fa, ja, nt, out_ref):
    i = pl.program_id(0)
    ii = i * TIB + jax.lax.broadcasted_iota(jnp.int32, (TIB, 1), 0)
    fcv = fc[...]

    def body(t, carry):
        c_gt, c_posb, p = carry
        frv = fa[t]
        jv = ja[t]
        pos_row = frv > -1.0
        before = jv < ii
        gt = (frv > fcv) | ((frv == fcv) & before)
        c_gt = c_gt + jnp.sum(gt.astype(jnp.int32), axis=1, keepdims=True)
        c_posb = c_posb + jnp.sum((pos_row & before).astype(jnp.int32),
                                  axis=1, keepdims=True)
        p = p + jnp.sum(pos_row.astype(jnp.int32))
        return c_gt, c_posb, p

    zero = jnp.zeros((TIB, 1), dtype=jnp.int32)
    c_gt, c_posb, p = jax.lax.fori_loop(0, nt[0, 0], body,
                                        (zero, zero, jnp.int32(0)))
    rank = jnp.where(fcv > -1.0, c_gt, p + ii - c_posb)
    out_ref[...] = rank


def _col_spec():
    return pl.BlockSpec((TIB, 1), lambda i: (i, 0))


def _row_spec():
    return pl.BlockSpec((1, NPAD), lambda i: (0, 0))


def _act_spec():
    return pl.BlockSpec((NJT, 1, TJ), lambda i: (0, 0, 0))


def _one_spec():
    return pl.BlockSpec((1, 1), lambda i: (0, 0), memory_space=pltpu.SMEM)


def kernel(nn_index1, nn_index2, x1, x2, match_score, topk):
    del topk
    pad = NPAD - N

    def padv(v, val):
        return jnp.pad(v, (0, pad), constant_values=val)

    nn1p = padv(nn_index1[0], 0)
    a1 = padv(x1[0, :, 0], 0.0)
    b1 = padv(x1[0, :, 1], 0.0)
    scp = padv(match_score[0], -3.0)

    s, a2, b2 = _sc_gather(nn1p, nn_index2[0], x2[0, :, 0], x2[0, :, 1],
                           scp)
    ja_v, sa_v, a1a_v, b1a_v, a2a_v, b2a_v, kc = _sc_compact(
        s, a1, b1, a2, b2)

    col = lambda v: v.reshape(NPAD, 1)
    act = lambda v: v.reshape(NJT, 1, TJ)

    ibs = jnp.array([p[0] for p in _TRI], jnp.int32)
    jbs = jnp.array([p[1] for p in _TRI], jnp.int32)
    grid_spec = pltpu.PrefetchScalarGridSpec(
        num_scalar_prefetch=2,
        grid=(NTRI,),
        in_specs=[pl.BlockSpec((TB, 1), lambda t, ib, jb: (ib[t], 0))] * 4
        + [pl.BlockSpec((1, TB), lambda t, ib, jb: (0, jb[t]))] * 4,
        out_specs=[
            pl.BlockSpec((1, 1), lambda t, ib, jb: (0, 0),
                         memory_space=pltpu.SMEM),
            pl.BlockSpec((1, 1), lambda t, ib, jb: (0, 0),
                         memory_space=pltpu.SMEM),
        ],
    )
    s1, s2 = pl.pallas_call(
        _sums_body,
        grid_spec=grid_spec,
        out_shape=[jax.ShapeDtypeStruct((1, 1), jnp.float32)] * 2,
    )(ibs, jbs, col(a1), col(b1), col(a2), col(b2),
      a1.reshape(1, NPAD), b1.reshape(1, NPAD),
      a2.reshape(1, NPAD), b2.reshape(1, NPAD))

    scale = 2.0 * NMS_RADIUS / (N * N)
    r1 = s1[0, 0] * scale
    r2 = s2[0, 0] * scale
    r1sq = (r1 * r1).reshape(1, 1)
    r2sq = (r2 * r2).reshape(1, 1)
    kcount = kc[0]
    nt = ((kcount + TJ - 1) // TJ).reshape(1, 1)

    grid = NPAD // TIB
    fcol = pl.pallas_call(
        _suppress_body,
        grid=(grid,),
        in_specs=[_col_spec()] * 5 + [_act_spec()] * 5
        + [_one_spec(), _one_spec(), _one_spec()],
        out_specs=_col_spec(),
        out_shape=jax.ShapeDtypeStruct((NPAD, 1), jnp.float32),
    )(col(a1), col(b1), col(a2), col(b2), col(s),
      act(a1a_v), act(b1a_v), act(a2a_v), act(b2a_v), act(sa_v),
      nt, r1sq, r2sq)

    fa_v = _sc_fgather(fcol.reshape(NPAD), ja_v, kc)

    rank = pl.pallas_call(
        _rank_body,
        grid=(grid,),
        in_specs=[_col_spec(), _act_spec(), _act_spec(), _one_spec()],
        out_specs=_col_spec(),
        out_shape=jax.ShapeDtypeStruct((NPAD, 1), jnp.int32),
    )(fcol, act(fa_v), act(ja_v), nt)

    seed1, seed2 = _sc_seeds(rank.reshape(NPAD), nn1p)

    return seed1[None, :], seed2[None, :], fcol[:N, 0][None, :]

# --- scband reference (transcript-rebuilt; emitter-appended) ---
"""Pipeline reference for scband-matcher-41918880809178 (READ-ONLY COPY).

The authoritative reference and input builder live on the scoring server;
editing this copy changes nothing except your own understanding.
"""

import jax, jax.numpy as jnp
import numpy as np

CONF_BAR = 0.1
NMS_RADIUS = 0.01
USE_MC = True


def setup_inputs(seed: int = 0) -> dict:
    key = jax.random.key(seed)
    ks = jax.random.split(key, 5)
    B, N, M = 1, 5000, 5000
    nn_index1 = jax.random.randint(ks[0], (B, N), 0, M, dtype=jnp.int32)
    nn_index2 = jax.random.randint(ks[1], (B, M), 0, N, dtype=jnp.int32)
    x1 = jax.random.normal(ks[2], (B, N, 2), dtype=jnp.float32)
    x2 = jax.random.normal(ks[3], (B, M, 2), dtype=jnp.float32)
    match_score = jax.random.uniform(ks[4], (B, N), dtype=jnp.float32)
    return {"nn_index1": nn_index1, "nn_index2": nn_index2, "x1": x1,
            "x2": x2, "match_score": match_score, "topk": 512}


def _pairwise_dist(x):
    # ||xi||^2 + ||xj||^2 - 2 xi.xj, abs then sqrt (matches torch reference)
    sq = jnp.sum(x * x, axis=-1)
    d2 = sq[..., :, None] + sq[..., None, :] - 2.0 * jnp.einsum('bnd,bmd->bnm', x, x)
    return jnp.sqrt(jnp.abs(d2))


def reference(nn_index1, nn_index2, x1, x2, match_score, topk):
    B, N = match_score.shape
    if USE_MC:
        # mutual-check: nn_index2[nn_index1[i]] == i
        back = jnp.take_along_axis(nn_index2, nn_index1, axis=-1)
        mask_not_mutual = back != jnp.arange(N, dtype=back.dtype)[None, :]
        match_score = jnp.where(mask_not_mutual, -1.0, match_score)
    pos_dismat1 = _pairwise_dist(x1)
    # gather matched points in image 2: x2.gather(index=nn_index1.unsqueeze(-1).expand(-1,-1,2), dim=1)
    x2g = x2[jnp.arange(B)[:, None], nn_index1]
    pos_dismat2 = _pairwise_dist(x2g)
    radius1 = NMS_RADIUS * jnp.mean(pos_dismat1, axis=(1, 2), keepdims=True)
    radius2 = NMS_RADIUS * jnp.mean(pos_dismat2, axis=(1, 2), keepdims=True)
    nms_mask = (pos_dismat1 >= radius1) & (pos_dismat2 >= radius2)
    mask_not_local_max = (match_score[..., :, None] >= match_score[..., None, :]) | nms_mask
    mask_not_local_max = ~jnp.all(mask_not_local_max, axis=-1)
    match_score = jnp.where(mask_not_local_max, -1.0, match_score)
    match_score = jnp.where(match_score < CONF_BAR, -1.0, match_score)
    _, topindex = jax.lax.top_k(match_score, 512)
    topindex = topindex + (jnp.asarray(topk, dtype=topindex.dtype) - jnp.asarray(topk, dtype=topindex.dtype))
    seed_index1 = topindex
    seed_index2 = jnp.take_along_axis(nn_index1, topindex, axis=-1)
    return seed_index1, seed_index2, match_score

if __name__ == "__main__":
    import jax
    _d = setup_inputs()
    print(jax.jit(kernel)(*tuple(_d.values())))

</pallas_src>

<mosaic_0001>
#map = affine_map<(d0, d1) -> (0)>
module attributes {stable_mosaic.version = 14 : i64} {
  func.func @_sc_fgather_body(%arg0: i32, %arg1: i32, %arg2: memref<5120xf32, #tpu.memory_space<hbm>>, %arg3: memref<5120xi32, #tpu.memory_space<hbm>>, %arg4: memref<16xi32, #tpu.memory_space<hbm>>, %arg5: memref<5120xf32, #tpu.memory_space<hbm>>, %arg6: memref<5120xf32, #tpu.memory_space<vmem>>, %arg7: memref<160xi32, #tpu.memory_space<vmem>>, %arg8: memref<16xi32, #tpu.memory_space<vmem>>, %arg9: memref<160xf32, #tpu.memory_space<vmem>>) attributes {dimension_semantics = [#tpu.dimension_semantics<core_parallel>, #tpu.dimension_semantics<subcore_parallel>], iteration_bounds = array<i64: 2, 16>, scalar_prefetch = 0 : i64, scratch_operands = 4 : i64, tpu.core_type = #tpu.core_type<sc_vector_subcore>, window_params = [{transform_indices = #map}, {transform_indices = #map}, {transform_indices = #map}, {transform_indices = #map}]} {
    %mul3A = arith.constant 2 : i32
    %mul3A_0 = arith.muli %arg1, %mul3A : i32
    %add3A = arith.addi %mul3A_0, %arg0 : i32
    %mul3A_1 = arith.constant 160 : i32
    %mul3A_2 = arith.muli %add3A, %mul3A_1 : i32
    "tpu.region"() ({
      %run_scoped3A = tpu.sem_alloc : memref<!tpu.dma_semaphore, #tpu.memory_space<semaphore_mem>>
      tpu.enqueue_dma source(%arg2 : memref<5120xf32, #tpu.memory_space<hbm>>) target(%arg6 : memref<5120xf32, #tpu.memory_space<vmem>>) target_semaphore(%run_scoped3A : memref<!tpu.dma_semaphore, #tpu.memory_space<semaphore_mem>>)
      tpu.wait_dma2 semaphore(%run_scoped3A : memref<!tpu.dma_semaphore, #tpu.memory_space<semaphore_mem>>) src(%arg2 : memref<5120xf32, #tpu.memory_space<hbm>>) dst(%arg6 : memref<5120xf32, #tpu.memory_space<vmem>>)
      tpu.yield
    }) : () -> ()
    "tpu.region"() ({
      %run_scoped3A = tpu.sem_alloc : memref<!tpu.dma_semaphore, #tpu.memory_space<semaphore_mem>>
      %dma_start3A = tpu.memref_slice %arg3[%mul3A_2] : memref<5120xi32, #tpu.memory_space<hbm>> -> memref<160xi32, #tpu.memory_space<hbm>>
      %dma_start3A_9 = tpu.memref_slice %arg3[%mul3A_2] : memref<5120xi32, #tpu.memory_space<hbm>> -> memref<160xi32, #tpu.memory_space<hbm>>
      tpu.enqueue_dma source(%dma_start3A_9 : memref<160xi32, #tpu.memory_space<hbm>>) target(%arg7 : memref<160xi32, #tpu.memory_space<vmem>>) target_semaphore(%run_scoped3A : memref<!tpu.dma_semaphore, #tpu.memory_space<semaphore_mem>>)
      %dma_wait3A = tpu.memref_slice %arg3[%mul3A_2] : memref<5120xi32, #tpu.memory_space<hbm>> -> memref<160xi32, #tpu.memory_space<hbm>>
      %dma_wait3A_10 = tpu.memref_slice %arg3[%mul3A_2] : memref<5120xi32, #tpu.memory_space<hbm>> -> memref<160xi32, #tpu.memory_space<hbm>>
      tpu.wait_dma2 semaphore(%run_scoped3A : memref<!tpu.dma_semaphore, #tpu.memory_space<semaphore_mem>>) src(%dma_wait3A_10 : memref<160xi32, #tpu.memory_space<hbm>>) dst(%arg7 : memref<160xi32, #tpu.memory_space<vmem>>)
      tpu.yield
    }) : () -> ()
    "tpu.region"() ({
      %run_scoped3A = tpu.sem_alloc : memref<!tpu.dma_semaphore, #tpu.memory_space<semaphore_mem>>
      tpu.enqueue_dma source(%arg4 : memref<16xi32, #tpu.memory_space<hbm>>) target(%arg8 : memref<16xi32, #tpu.memory_space<vmem>>) target_semaphore(%run_scoped3A : memref<!tpu.dma_semaphore, #tpu.memory_space<semaphore_mem>>)
      tpu.wait_dma2 semaphore(%run_scoped3A : memref<!tpu.dma_semaphore, #tpu.memory_space<semaphore_mem>>) src(%arg4 : memref<16xi32, #tpu.memory_space<hbm>>) dst(%arg8 : memref<16xi32, #tpu.memory_space<vmem>>)
      tpu.yield
    }) : () -> ()
    %get3A = arith.constant 0 : index
    %get3A_3 = tpu.vector_load %arg8[%get3A] {strides = array<i32>} : memref<16xi32, #tpu.memory_space<vmem>>, vector<16xi32>,
    %scan3A = arith.constant 0 : i32
    %scan3A_4 = arith.constant 0 : i32
    %scan3A_5 = arith.constant 10 : i32
    %scan3A_6 = arith.addi %scan3A_4, %scan3A_5 : i32
    %scan3A_7 = arith.constant 1 : i32
    scf.for %scan3A_9 = %scan3A_4 to %scan3A_6 step %scan3A_7  : i32 {
      %mul3A_10 = arith.constant 16 : i32
      %mul3A_11 = arith.muli %scan3A_9, %mul3A_10 : i32
      %get3A_12 = arith.index_cast %mul3A_11 : i32 to index
      %get3A_13 = tpu.vector_load %arg7[%get3A_12] {strides = array<i32>} : memref<160xi32, #tpu.memory_space<vmem>>, vector<16xi32>,
      %mul3A_14 = arith.constant 16 : i32
      %mul3A_15 = arith.muli %scan3A_9, %mul3A_14 : i32
      %add3A_16 = arith.addi %mul3A_2, %mul3A_15 : i32
      %iota3A = tpu.iota {dimensions = array<i32: 0>} : vector<16xi32>
      %add3A_17 = vector.broadcast %add3A_16 : i32 to vector<16xi32>
      %add3A_18 = arith.addi %add3A_17, %iota3A : vector<16xi32>
      %lt3A = arith.cmpi slt, %add3A_18, %get3A_3 : vector<16xi32>
      %jit3A = arith.constant 0 : i32
      %broadcast_in_dim3A = vector.broadcast %jit3A : i32 to vector<16xi32>
      %select_n3A = arith.select %lt3A, %get3A_13, %broadcast_in_dim3A : vector<16xi1>, vector<16xi32>
      %gather3A = tpu.vector_load_idx %arg6[%select_n3A] : memref<5120xf32, #tpu.memory_space<vmem>>[vector<16xi32>], vector<16xf32>,
      %jit3A_19 = arith.constant -3.000000e+00 : f32
      %broadcast_in_dim3A_20 = vector.broadcast %jit3A_19 : f32 to vector<16xf32>
      %select_n3A_21 = arith.select %lt3A, %gather3A, %broadcast_in_dim3A_20 : vector<16xi1>, vector<16xf32>
      %swap3A = arith.index_cast %mul3A_11 : i32 to index
      %swap3A_22 = tpu.vector_load %arg9[%swap3A] {strides = array<i32>} : memref<160xf32, #tpu.memory_space<vmem>>, vector<16xf32>,
      tpu.vector_store %arg9[%swap3A], %select_n3A_21 {strides = array<i32>} : memref<160xf32, #tpu.memory_space<vmem>>, vector<16xf32>,
    }
    %scan3A_8 = arith.constant 10 : i32
    "tpu.region"() ({
      %run_scoped3A = tpu.sem_alloc : memref<!tpu.dma_semaphore, #tpu.memory_space<semaphore_mem>>
      %dma_start3A = tpu.memref_slice %arg5[%mul3A_2] : memref<5120xf32, #tpu.memory_space<hbm>> -> memref<160xf32, #tpu.memory_space<hbm>>
      %dma_start3A_9 = tpu.memref_slice %arg5[%mul3A_2] : memref<5120xf32, #tpu.memory_space<hbm>> -> memref<160xf32, #tpu.memory_space<hbm>>
      tpu.enqueue_dma source(%arg9 : memref<160xf32, #tpu.memory_space<vmem>>) target(%dma_start3A_9 : memref<160xf32, #tpu.memory_space<hbm>>) target_semaphore(%run_scoped3A : memref<!tpu.dma_semaphore, #tpu.memory_space<semaphore_mem>>)
      %dma_wait3A = tpu.memref_slice %arg5[%mul3A_2] : memref<5120xf32, #tpu.memory_space<hbm>> -> memref<160xf32, #tpu.memory_space<hbm>>
      %dma_wait3A_10 = tpu.memref_slice %arg5[%mul3A_2] : memref<5120xf32, #tpu.memory_space<hbm>> -> memref<160xf32, #tpu.memory_space<hbm>>
      tpu.wait_dma2 semaphore(%run_scoped3A : memref<!tpu.dma_semaphore, #tpu.memory_space<semaphore_mem>>) src(%arg9 : memref<160xf32, #tpu.memory_space<vmem>>) dst(%dma_wait3A_10 : memref<160xf32, #tpu.memory_space<hbm>>)
      tpu.yield
    }) : () -> ()
    return
  }
}

#map = affine_map<(d0, d1) -> (0)>
module attributes {stable_mosaic.version = 14 : i64} {
  func.func @_sc_gather_body(%arg0: i32, %arg1: i32, %arg2: memref<5120xi32, #tpu.memory_space<hbm>>, %arg3: memref<5000xi32, #tpu.memory_space<hbm>>, %arg4: memref<5000xf32, #tpu.memory_space<hbm>>, %arg5: memref<5000xf32, #tpu.memory_space<hbm>>, %arg6: memref<5120xf32, #tpu.memory_space<hbm>>, %arg7: memref<5120xf32, #tpu.memory_space<hbm>>, %arg8: memref<5120xf32, #tpu.memory_space<hbm>>, %arg9: memref<5120xf32, #tpu.memory_space<hbm>>, %arg10: memref<5000xi32, #tpu.memory_space<vmem>>, %arg11: memref<5000xf32, #tpu.memory_space<vmem>>, %arg12: memref<5000xf32, #tpu.memory_space<vmem>>, %arg13: memref<160xi32, #tpu.memory_space<vmem>>, %arg14: memref<160xf32, #tpu.memory_space<vmem>>, %arg15: memref<160xf32, #tpu.memory_space<vmem>>, %arg16: memref<160xf32, #tpu.memory_space<vmem>>, %arg17: memref<160xf32, #tpu.memory_space<vmem>>) attributes {dimension_semantics = [#tpu.dimension_semantics<core_parallel>, #tpu.dimension_semantics<subcore_parallel>], iteration_bounds = array<i64: 2, 16>, scalar_prefetch = 0 : i64, scratch_operands = 8 : i64, tpu.core_type = #tpu.core_type<sc_vector_subcore>, window_params = [{transform_indices = #map}, {transform_indices = #map}, {transform_indices = #map}, {transform_indices = #map}, {transform_indices = #map}, {transform_indices = #map}, {transform_indices = #map}, {transform_indices = #map}]} {
    %mul3A = arith.constant 2 : i32
    %mul3A_0 = arith.muli %arg1, %mul3A : i32
    %add3A = arith.addi %mul3A_0, %arg0 : i32
    %mul3A_1 = arith.constant 160 : i32
    %mul3A_2 = arith.muli %add3A, %mul3A_1 : i32
    "tpu.region"() ({
      %run_scoped3A = tpu.sem_alloc : memref<!tpu.dma_semaphore, #tpu.memory_space<semaphore_mem>>
      tpu.enqueue_dma source(%arg3 : memref<5000xi32, #tpu.memory_space<hbm>>) target(%arg10 : memref<5000xi32, #tpu.memory_space<vmem>>) target_semaphore(%run_scoped3A : memref<!tpu.dma_semaphore, #tpu.memory_space<semaphore_mem>>)
      tpu.wait_dma2 semaphore(%run_scoped3A : memref<!tpu.dma_semaphore, #tpu.memory_space<semaphore_mem>>) src(%arg3 : memref<5000xi32, #tpu.memory_space<hbm>>) dst(%arg10 : memref<5000xi32, #tpu.memory_space<vmem>>)
      tpu.yield
    }) : () -> ()
    "tpu.region"() ({
      %run_scoped3A = tpu.sem_alloc : memref<!tpu.dma_semaphore, #tpu.memory_space<semaphore_mem>>
      tpu.enqueue_dma source(%arg4 : memref<5000xf32, #tpu.memory_space<hbm>>) target(%arg11 : memref<5000xf32, #tpu.memory_space<vmem>>) target_semaphore(%run_scoped3A : memref<!tpu.dma_semaphore, #tpu.memory_space<semaphore_mem>>)
      tpu.wait_dma2 semaphore(%run_scoped3A : memref<!tpu.dma_semaphore, #tpu.memory_space<semaphore_mem>>) src(%arg4 : memref<5000xf32, #tpu.memory_space<hbm>>) dst(%arg11 : memref<5000xf32, #tpu.memory_space<vmem>>)
      tpu.yield
    }) : () -> ()
    "tpu.region"() ({
      %run_scoped3A = tpu.sem_alloc : memref<!tpu.dma_semaphore, #tpu.memory_space<semaphore_mem>>
      tpu.enqueue_dma source(%arg5 : memref<5000xf32, #tpu.memory_space<hbm>>) target(%arg12 : memref<5000xf32, #tpu.memory_space<vmem>>) target_semaphore(%run_scoped3A : memref<!tpu.dma_semaphore, #tpu.memory_space<semaphore_mem>>)
      tpu.wait_dma2 semaphore(%run_scoped3A : memref<!tpu.dma_semaphore, #tpu.memory_space<semaphore_mem>>) src(%arg5 : memref<5000xf32, #tpu.memory_space<hbm>>) dst(%arg12 : memref<5000xf32, #tpu.memory_space<vmem>>)
      tpu.yield
    }) : () -> ()
    "tpu.region"() ({
      %run_scoped3A = tpu.sem_alloc : memref<!tpu.dma_semaphore, #tpu.memory_space<semaphore_mem>>
      %dma_start3A = tpu.memref_slice %arg2[%mul3A_2] : memref<5120xi32, #tpu.memory_space<hbm>> -> memref<160xi32, #tpu.memory_space<hbm>>
      %dma_start3A_8 = tpu.memref_slice %arg2[%mul3A_2] : memref<5120xi32, #tpu.memory_space<hbm>> -> memref<160xi32, #tpu.memory_space<hbm>>
      tpu.enqueue_dma source(%dma_start3A_8 : memref<160xi32, #tpu.memory_space<hbm>>) target(%arg13 : memref<160xi32, #tpu.memory_space<vmem>>) target_semaphore(%run_scoped3A : memref<!tpu.dma_semaphore, #tpu.memory_space<semaphore_mem>>)
      %dma_wait3A = tpu.memref_slice %arg2[%mul3A_2] : memref<5120xi32, #tpu.memory_space<hbm>> -> memref<160xi32, #tpu.memory_space<hbm>>
      %dma_wait3A_9 = tpu.memref_slice %arg2[%mul3A_2] : memref<5120xi32, #tpu.memory_space<hbm>> -> memref<160xi32, #tpu.memory_space<hbm>>
      tpu.wait_dma2 semaphore(%run_scoped3A : memref<!tpu.dma_semaphore, #tpu.memory_space<semaphore_mem>>) src(%dma_wait3A_9 : memref<160xi32, #tpu.memory_space<hbm>>) dst(%arg13 : memref<160xi32, #tpu.memory_space<vmem>>)
      tpu.yield
    }) : () -> ()
    "tpu.region"() ({
      %run_scoped3A = tpu.sem_alloc : memref<!tpu.dma_semaphore, #tpu.memory_space<semaphore_mem>>
      %dma_start3A = tpu.memref_slice %arg6[%mul3A_2] : memref<5120xf32, #tpu.memory_space<hbm>> -> memref<160xf32, #tpu.memory_space<hbm>>
      %dma_start3A_8 = tpu.memref_slice %arg6[%mul3A_2] : memref<5120xf32, #tpu.memory_space<hbm>> -> memref<160xf32, #tpu.memory_space<hbm>>
      tpu.enqueue_dma source(%dma_start3A_8 : memref<160xf32, #tpu.memory_space<hbm>>) target(%arg14 : memref<160xf32, #tpu.memory_space<vmem>>) target_semaphore(%run_scoped3A : memref<!tpu.dma_semaphore, #tpu.memory_space<semaphore_mem>>)
      %dma_wait3A = tpu.memref_slice %arg6[%mul3A_2] : memref<5120xf32, #tpu.memory_space<hbm>> -> memref<160xf32, #tpu.memory_space<hbm>>
      %dma_wait3A_9 = tpu.memref_slice %arg6[%mul3A_2] : memref<5120xf32, #tpu.memory_space<hbm>> -> memref<160xf32, #tpu.memory_space<hbm>>
      tpu.wait_dma2 semaphore(%run_scoped3A : memref<!tpu.dma_semaphore, #tpu.memory_space<semaphore_mem>>) src(%dma_wait3A_9 : memref<160xf32, #tpu.memory_space<hbm>>) dst(%arg14 : memref<160xf32, #tpu.memory_space<vmem>>)
      tpu.yield
    }) : () -> ()
    %scan3A = arith.constant 0 : i32
    %scan3A_3 = arith.constant 0 : i32
    %scan3A_4 = arith.constant 10 : i32
    %scan3A_5 = arith.addi %scan3A_3, %scan3A_4 : i32
    %scan3A_6 = arith.constant 1 : i32
    scf.for %scan3A_8 = %scan3A_3 to %scan3A_5 step %scan3A_6  : i32 {
      %mul3A_9 = arith.constant 16 : i32
      %mul3A_10 = arith.muli %scan3A_8, %mul3A_9 : i32
      %get3A = arith.index_cast %mul3A_10 : i32 to index
      %get3A_11 = tpu.vector_load %arg13[%get3A] {strides = array<i32>} : memref<160xi32, #tpu.memory_space<vmem>>, vector<16xi32>,
      %gather3A = tpu.vector_load_idx %arg10[%get3A_11] : memref<5000xi32, #tpu.memory_space<vmem>>[vector<16xi32>], vector<16xi32>,
      %mul3A_12 = arith.constant 16 : i32
      %mul3A_13 = arith.muli %scan3A_8, %mul3A_12 : i32
      %add3A_14 = arith.addi %mul3A_2, %mul3A_13 : i32
      %iota3A = tpu.iota {dimensions = array<i32: 0>} : vector<16xi32>
      %add3A_15 = vector.broadcast %add3A_14 : i32 to vector<16xi32>
      %add3A_16 = arith.addi %add3A_15, %iota3A : vector<16xi32>
      %ne3A = arith.cmpi ne, %gather3A, %add3A_16 : vector<16xi32>
      %get3A_17 = arith.index_cast %mul3A_10 : i32 to index
      %get3A_18 = tpu.vector_load %arg14[%get3A_17] {strides = array<i32>} : memref<160xf32, #tpu.memory_space<vmem>>, vector<16xf32>,
      %jit3A = arith.constant -1.000000e+00 : f32
      %broadcast_in_dim3A = vector.broadcast %jit3A : f32 to vector<16xf32>
      %select_n3A = arith.select %ne3A, %broadcast_in_dim3A, %get3A_18 : vector<16xi1>, vector<16xf32>
      %swap3A = arith.index_cast %mul3A_10 : i32 to index
      %swap3A_19 = tpu.vector_load %arg15[%swap3A] {strides = array<i32>} : memref<160xf32, #tpu.memory_space<vmem>>, vector<16xf32>,
      tpu.vector_store %arg15[%swap3A], %select_n3A {strides = array<i32>} : memref<160xf32, #tpu.memory_space<vmem>>, vector<16xf32>,
      %gather3A_20 = tpu.vector_load_idx %arg11[%get3A_11] : memref<5000xf32, #tpu.memory_space<vmem>>[vector<16xi32>], vector<16xf32>,
      %swap3A_21 = arith.index_cast %mul3A_10 : i32 to index
      %swap3A_22 = tpu.vector_load %arg16[%swap3A_21] {strides = array<i32>} : memref<160xf32, #tpu.memory_space<vmem>>, vector<16xf32>,
      tpu.vector_store %arg16[%swap3A_21], %gather3A_20 {strides = array<i32>} : memref<160xf32, #tpu.memory_space<vmem>>, vector<16xf32>,
      %gather3A_23 = tpu.vector_load_idx %arg12[%get3A_11] : memref<5000xf32, #tpu.memory_space<vmem>>[vector<16xi32>], vector<16xf32>,
      %swap3A_24 = arith.index_cast %mul3A_10 : i32 to index
      %swap3A_25 = tpu.vector_load %arg17[%swap3A_24] {strides = array<i32>} : memref<160xf32, #tpu.memory_space<vmem>>, vector<16xf32>,
      tpu.vector_store %arg17[%swap3A_24], %gather3A_23 {strides = array<i32>} : memref<160xf32, #tpu.memory_space<vmem>>, vector<16xf32>,
    }
    %scan3A_7 = arith.constant 10 : i32
    "tpu.region"() ({
      %run_scoped3A = tpu.sem_alloc : memref<!tpu.dma_semaphore, #tpu.memory_space<semaphore_mem>>
      %dma_start3A = tpu.memref_slice %arg7[%mul3A_2] : memref<5120xf32, #tpu.memory_space<hbm>> -> memref<160xf32, #tpu.memory_space<hbm>>
      %dma_start3A_8 = tpu.memref_slice %arg7[%mul3A_2] : memref<5120xf32, #tpu.memory_space<hbm>> -> memref<160xf32, #tpu.memory_space<hbm>>
      tpu.enqueue_dma source(%arg15 : memref<160xf32, #tpu.memory_space<vmem>>) target(%dma_start3A_8 : memref<160xf32, #tpu.memory_space<hbm>>) target_semaphore(%run_scoped3A : memref<!tpu.dma_semaphore, #tpu.memory_space<semaphore_mem>>)
      %dma_wait3A = tpu.memref_slice %arg7[%mul3A_2] : memref<5120xf32, #tpu.memory_space<hbm>> -> memref<160xf32, #tpu.memory_space<hbm>>
      %dma_wait3A_9 = tpu.memref_slice %arg7[%mul3A_2] : memref<5120xf32, #tpu.memory_space<hbm>> -> memref<160xf32, #tpu.memory_space<hbm>>
      tpu.wait_dma2 semaphore(%run_scoped3A : memref<!tpu.dma_semaphore, #tpu.memory_space<semaphore_mem>>) src(%arg15 : memref<160xf32, #tpu.memory_space<vmem>>) dst(%dma_wait3A_9 : memref<160xf32, #tpu.memory_space<hbm>>)
      tpu.yield
    }) : () -> ()
    "tpu.region"() ({
      %run_scoped3A = tpu.sem_alloc : memref<!tpu.dma_semaphore, #tpu.memory_space<semaphore_mem>>
      %dma_start3A = tpu.memref_slice %arg8[%mul3A_2] : memref<5120xf32, #tpu.memory_space<hbm>> -> memref<160xf32, #tpu.memory_space<hbm>>
      %dma_start3A_8 = tpu.memref_slice %arg8[%mul3A_2] : memref<5120xf32, #tpu.memory_space<hbm>> -> memref<160xf32, #tpu.memory_space<hbm>>
      tpu.enqueue_dma source(%arg16 : memref<160xf32, #tpu.memory_space<vmem>>) target(%dma_start3A_8 : memref<160xf32, #tpu.memory_space<hbm>>) target_semaphore(%run_scoped3A : memref<!tpu.dma_semaphore, #tpu.memory_space<semaphore_mem>>)
      %dma_wait3A = tpu.memref_slice %arg8[%mul3A_2] : memref<5120xf32, #tpu.memory_space<hbm>> -> memref<160xf32, #tpu.memory_space<hbm>>
      %dma_wait3A_9 = tpu.memref_slice %arg8[%mul3A_2] : memref<5120xf32, #tpu.memory_space<hbm>> -> memref<160xf32, #tpu.memory_space<hbm>>
      tpu.wait_dma2 semaphore(%run_scoped3A : memref<!tpu.dma_semaphore, #tpu.memory_space<semaphore_mem>>) src(%arg16 : memref<160xf32, #tpu.memory_space<vmem>>) dst(%dma_wait3A_9 : memref<160xf32, #tpu.memory_space<hbm>>)
      tpu.yield
    }) : () -> ()
    "tpu.region"() ({
      %run_scoped3A = tpu.sem_alloc : memref<!tpu.dma_semaphore, #tpu.memory_space<semaphore_mem>>
      %dma_start3A = tpu.memref_slice %arg9[%mul3A_2] : memref<5120xf32, #tpu.memory_space<hbm>> -> memref<160xf32, #tpu.memory_space<hbm>>
      %dma_start3A_8 = tpu.memref_slice %arg9[%mul3A_2] : memref<5120xf32, #tpu.memory_space<hbm>> -> memref<160xf32, #tpu.memory_space<hbm>>
      tpu.enqueue_dma source(%arg17 : memref<160xf32, #tpu.memory_space<vmem>>) target(%dma_start3A_8 : memref<160xf32, #tpu.memory_space<hbm>>) target_semaphore(%run_scoped3A : memref<!tpu.dma_semaphore, #tpu.memory_space<semaphore_mem>>)
      %dma_wait3A = tpu.memref_slice %arg9[%mul3A_2] : memref<5120xf32, #tpu.memory_space<hbm>> -> memref<160xf32, #tpu.memory_space<hbm>>
      %dma_wait3A_9 = tpu.memref_slice %arg9[%mul3A_2] : memref<5120xf32, #tpu.memory_space<hbm>> -> memref<160xf32, #tpu.memory_space<hbm>>
      tpu.wait_dma2 semaphore(%run_scoped3A : memref<!tpu.dma_semaphore, #tpu.memory_space<semaphore_mem>>) src(%arg17 : memref<160xf32, #tpu.memory_space<vmem>>) dst(%dma_wait3A_9 : memref<160xf32, #tpu.memory_space<hbm>>)
      tpu.yield
    }) : () -> ()
    return
  }
}

#map = affine_map<(d0, d1) -> (0)>
module attributes {stable_mosaic.version = 14 : i64} {
  func.func @_sc_seeds_body(%arg0: i32, %arg1: i32, %arg2: memref<5120xi32, #tpu.memory_space<hbm>>, %arg3: memref<5120xi32, #tpu.memory_space<hbm>>, %arg4: memref<512xi32, #tpu.memory_space<hbm>>, %arg5: memref<512xi32, #tpu.memory_space<hbm>>, %arg6: memref<5120xi32, #tpu.memory_space<vmem>>, %arg7: memref<5120xi32, #tpu.memory_space<vmem>>, %arg8: memref<5120xi32, #tpu.memory_space<vmem>>, %arg9: memref<5120xi32, #tpu.memory_space<vmem>>) attributes {dimension_semantics = [#tpu.dimension_semantics<core_parallel>, #tpu.dimension_semantics<subcore_parallel>], iteration_bounds = array<i64: 2, 16>, scalar_prefetch = 0 : i64, scratch_operands = 4 : i64, tpu.core_type = #tpu.core_type<sc_vector_subcore>, window_params = [{transform_indices = #map}, {transform_indices = #map}, {transform_indices = #map}, {transform_indices = #map}]} {
    %mul3A = arith.constant 2 : i32
    %mul3A_0 = arith.muli %arg1, %mul3A : i32
    %add3A = arith.addi %mul3A_0, %arg0 : i32
    %eq3A = arith.constant 0 : i32
    %eq3A_1 = arith.cmpi eq, %add3A, %eq3A : i32
    %convert_element_type3A = arith.extui %eq3A_1 : i1 to i32
    %cond3A = arith.constant 0 : i32
    %cond3A_2 = arith.cmpi ne, %convert_element_type3A, %cond3A : i32
    scf.if %cond3A_2 {
      "tpu.region"() ({
        %run_scoped3A = tpu.sem_alloc : memref<!tpu.dma_semaphore, #tpu.memory_space<semaphore_mem>>
        tpu.enqueue_dma source(%arg2 : memref<5120xi32, #tpu.memory_space<hbm>>) target(%arg6 : memref<5120xi32, #tpu.memory_space<vmem>>) target_semaphore(%run_scoped3A : memref<!tpu.dma_semaphore, #tpu.memory_space<semaphore_mem>>)
        tpu.wait_dma2 semaphore(%run_scoped3A : memref<!tpu.dma_semaphore, #tpu.memory_space<semaphore_mem>>) src(%arg2 : memref<5120xi32, #tpu.memory_space<hbm>>) dst(%arg6 : memref<5120xi32, #tpu.memory_space<vmem>>)
        tpu.yield
      }) : () -> ()
      "tpu.region"() ({
        %run_scoped3A = tpu.sem_alloc : memref<!tpu.dma_semaphore, #tpu.memory_space<semaphore_mem>>
        tpu.enqueue_dma source(%arg3 : memref<5120xi32, #tpu.memory_space<hbm>>) target(%arg7 : memref<5120xi32, #tpu.memory_space<vmem>>) target_semaphore(%run_scoped3A : memref<!tpu.dma_semaphore, #tpu.memory_space<semaphore_mem>>)
        tpu.wait_dma2 semaphore(%run_scoped3A : memref<!tpu.dma_semaphore, #tpu.memory_space<semaphore_mem>>) src(%arg3 : memref<5120xi32, #tpu.memory_space<hbm>>) dst(%arg7 : memref<5120xi32, #tpu.memory_space<vmem>>)
        tpu.yield
      }) : () -> ()
      %scan3A = arith.constant 0 : i32
      %scan3A_3 = arith.constant 0 : i32
      %scan3A_4 = arith.constant 320 : i32
      %scan3A_5 = arith.addi %scan3A_3, %scan3A_4 : i32
      %scan3A_6 = arith.constant 1 : i32
      scf.for %scan3A_8 = %scan3A_3 to %scan3A_5 step %scan3A_6  : i32 {
        %mul3A_9 = arith.constant 16 : i32
        %mul3A_10 = arith.muli %scan3A_8, %mul3A_9 : i32
        %get3A = arith.index_cast %mul3A_10 : i32 to index
        %get3A_11 = tpu.vector_load %arg6[%get3A] {strides = array<i32>} : memref<5120xi32, #tpu.memory_space<vmem>>, vector<16xi32>,
        %mul3A_12 = arith.constant 16 : i32
        %mul3A_13 = arith.muli %scan3A_8, %mul3A_12 : i32
        %iota3A = tpu.iota {dimensions = array<i32: 0>} : vector<16xi32>
        %add3A_14 = vector.broadcast %mul3A_13 : i32 to vector<16xi32>
        %add3A_15 = arith.addi %add3A_14, %iota3A : vector<16xi32>
        %lt3A = arith.constant 5000 : i32
        %lt3A_16 = vector.broadcast %lt3A : i32 to vector<16xi32>
        %lt3A_17 = arith.cmpi slt, %add3A_15, %lt3A_16 : vector<16xi32>
        %lt3A_18 = arith.constant 512 : i32
        %lt3A_19 = vector.broadcast %lt3A_18 : i32 to vector<16xi32>
        %lt3A_20 = arith.cmpi slt, %get3A_11, %lt3A_19 : vector<16xi32>
        %and3A = arith.andi %lt3A_17, %lt3A_20 : vector<16xi1>
        tpu.vector_store_idx %arg8[%get3A_11], %add3A_15 masked %and3A : memref<5120xi32, #tpu.memory_space<vmem>>[vector<16xi32>], vector<16xi32>, vector<16xi1>
        %get3A_21 = arith.index_cast %mul3A_10 : i32 to index
        %get3A_22 = tpu.vector_load %arg7[%get3A_21] {strides = array<i32>} : memref<5120xi32, #tpu.memory_space<vmem>>, vector<16xi32>,
        tpu.vector_store_idx %arg9[%get3A_11], %get3A_22 masked %and3A : memref<5120xi32, #tpu.memory_space<vmem>>[vector<16xi32>], vector<16xi32>, vector<16xi1>
      }
      %scan3A_7 = arith.constant 320 : i32
      "tpu.region"() ({
        %run_scoped3A = tpu.sem_alloc : memref<!tpu.dma_semaphore, #tpu.memory_space<semaphore_mem>>
        %dma_start3A = arith.constant 0 : i32
        %dma_start3A_8 = tpu.memref_slice %arg8[%dma_start3A] : memref<5120xi32, #tpu.memory_space<vmem>> -> memref<512xi32, #tpu.memory_space<vmem>>
        %dma_start3A_9 = arith.constant 0 : i32
        %dma_start3A_10 = tpu.memref_slice %arg8[%dma_start3A_9] : memref<5120xi32, #tpu.memory_space<vmem>> -> memref<512xi32, #tpu.memory_space<vmem>>
        tpu.enqueue_dma source(%dma_start3A_10 : memref<512xi32, #tpu.memory_space<vmem>>) target(%arg4 : memref<512xi32, #tpu.memory_space<hbm>>) target_semaphore(%run_scoped3A : memref<!tpu.dma_semaphore, #tpu.memory_space<semaphore_mem>>)
        %dma_wait3A = arith.constant 0 : i32
        %dma_wait3A_11 = tpu.memref_slice %arg8[%dma_wait3A] : memref<5120xi32, #tpu.memory_space<vmem>> -> memref<512xi32, #tpu.memory_space<vmem>>
        %dma_wait3A_12 = arith.constant 0 : i32
        %dma_wait3A_13 = tpu.memref_slice %arg8[%dma_wait3A_12] : memref<5120xi32, #tpu.memory_space<vmem>> -> memref<512xi32, #tpu.memory_space<vmem>>
        tpu.wait_dma2 semaphore(%run_scoped3A : memref<!tpu.dma_semaphore, #tpu.memory_space<semaphore_mem>>) src(%dma_wait3A_13 : memref<512xi32, #tpu.memory_space<vmem>>) dst(%arg4 : memref<512xi32, #tpu.memory_space<hbm>>)
        tpu.yield
      }) : () -> ()
      "tpu.region"() ({
        %run_scoped3A = tpu.sem_alloc : memref<!tpu.dma_semaphore, #tpu.memory_space<semaphore_mem>>
        %dma_start3A = arith.constant 0 : i32
        %dma_start3A_8 = tpu.memref_slice %arg9[%dma_start3A] : memref<5120xi32, #tpu.memory_space<vmem>> -> memref<512xi32, #tpu.memory_space<vmem>>
        %dma_start3A_9 = arith.constant 0 : i32
        %dma_start3A_10 = tpu.memref_slice %arg9[%dma_start3A_9] : memref<5120xi32, #tpu.memory_space<vmem>> -> memref<512xi32, #tpu.memory_space<vmem>>
        tpu.enqueue_dma source(%dma_start3A_10 : memref<512xi32, #tpu.memory_space<vmem>>) target(%arg5 : memref<512xi32, #tpu.memory_space<hbm>>) target_semaphore(%run_scoped3A : memref<!tpu.dma_semaphore, #tpu.memory_space<semaphore_mem>>)
        %dma_wait3A = arith.constant 0 : i32
        %dma_wait3A_11 = tpu.memref_slice %arg9[%dma_wait3A] : memref<5120xi32, #tpu.memory_space<vmem>> -> memref<512xi32, #tpu.memory_space<vmem>>
        %dma_wait3A_12 = arith.constant 0 : i32
        %dma_wait3A_13 = tpu.memref_slice %arg9[%dma_wait3A_12] : memref<5120xi32, #tpu.memory_space<vmem>> -> memref<512xi32, #tpu.memory_space<vmem>>
        tpu.wait_dma2 semaphore(%run_scoped3A : memref<!tpu.dma_semaphore, #tpu.memory_space<semaphore_mem>>) src(%dma_wait3A_13 : memref<512xi32, #tpu.memory_space<vmem>>) dst(%arg5 : memref<512xi32, #tpu.memory_space<hbm>>)
        tpu.yield
      }) : () -> ()
    } else {
    }
    return
  }
}

#map = affine_map<(d0, d1) -> (0)>
module attributes {stable_mosaic.version = 14 : i64} {
  func.func @_sc_compact_body(%arg0: i32, %arg1: i32, %arg2: memref<5120xf32, #tpu.memory_space<hbm>>, %arg3: memref<5120xf32, #tpu.memory_space<hbm>>, %arg4: memref<5120xf32, #tpu.memory_space<hbm>>, %arg5: memref<5120xf32, #tpu.memory_space<hbm>>, %arg6: memref<5120xf32, #tpu.memory_space<hbm>>, %arg7: memref<5120xi32, #tpu.memory_space<hbm>>, %arg8: memref<5120xf32, #tpu.memory_space<hbm>>, %arg9: memref<5120xf32, #tpu.memory_space<hbm>>, %arg10: memref<5120xf32, #tpu.memory_space<hbm>>, %arg11: memref<5120xf32, #tpu.memory_space<hbm>>, %arg12: memref<5120xf32, #tpu.memory_space<hbm>>, %arg13: memref<16xi32, #tpu.memory_space<hbm>>, %arg14: memref<5120xf32, #tpu.memory_space<vmem>>, %arg15: memref<5120xf32, #tpu.memory_space<vmem>>, %arg16: memref<5120xf32, #tpu.memory_space<vmem>>, %arg17: memref<5120xf32, #tpu.memory_space<vmem>>, %arg18: memref<5120xf32, #tpu.memory_space<vmem>>, %arg19: memref<5120xi32, #tpu.memory_space<vmem>>, %arg20: memref<5120xf32, #tpu.memory_space<vmem>>, %arg21: memref<5120xf32, #tpu.memory_space<vmem>>, %arg22: memref<5120xf32, #tpu.memory_space<vmem>>, %arg23: memref<5120xf32, #tpu.memory_space<vmem>>, %arg24: memref<5120xf32, #tpu.memory_space<vmem>>, %arg25: memref<16xi32, #tpu.memory_space<vmem>>) attributes {dimension_semantics = [#tpu.dimension_semantics<core_parallel>, #tpu.dimension_semantics<subcore_parallel>], iteration_bounds = array<i64: 2, 16>, scalar_prefetch = 0 : i64, scratch_operands = 12 : i64, tpu.core_type = #tpu.core_type<sc_vector_subcore>, window_params = [{transform_indices = #map}, {transform_indices = #map}, {transform_indices = #map}, {transform_indices = #map}, {transform_indices = #map}, {transform_indices = #map}, {transform_indices = #map}, {transform_indices = #map}, {transform_indices = #map}, {transform_indices = #map}, {transform_indices = #map}, {transform_indices = #map}]} {
    %mul3A = arith.constant 2 : i32
    %mul3A_0 = arith.muli %arg1, %mul3A : i32
    %add3A = arith.addi %mul3A_0, %arg0 : i32
    %eq3A = arith.constant 0 : i32
    %eq3A_1 = arith.cmpi eq, %add3A, %eq3A : i32
    %convert_element_type3A = arith.extui %eq3A_1 : i1 to i32
    %cond3A = arith.constant 0 : i32
    %cond3A_2 = arith.cmpi ne, %convert_element_type3A, %cond3A : i32
    scf.if %cond3A_2 {
      "tpu.region"() ({
        %run_scoped3A = tpu.sem_alloc : memref<!tpu.dma_semaphore, #tpu.memory_space<semaphore_mem>>
        tpu.enqueue_dma source(%arg2 : memref<5120xf32, #tpu.memory_space<hbm>>) target(%arg14 : memref<5120xf32, #tpu.memory_space<vmem>>) target_semaphore(%run_scoped3A : memref<!tpu.dma_semaphore, #tpu.memory_space<semaphore_mem>>)
        tpu.wait_dma2 semaphore(%run_scoped3A : memref<!tpu.dma_semaphore, #tpu.memory_space<semaphore_mem>>) src(%arg2 : memref<5120xf32, #tpu.memory_space<hbm>>) dst(%arg14 : memref<5120xf32, #tpu.memory_space<vmem>>)
        tpu.yield
      }) : () -> ()
      "tpu.region"() ({
        %run_scoped3A = tpu.sem_alloc : memref<!tpu.dma_semaphore, #tpu.memory_space<semaphore_mem>>
        tpu.enqueue_dma source(%arg3 : memref<5120xf32, #tpu.memory_space<hbm>>) target(%arg15 : memref<5120xf32, #tpu.memory_space<vmem>>) target_semaphore(%run_scoped3A : memref<!tpu.dma_semaphore, #tpu.memory_space<semaphore_mem>>)
        tpu.wait_dma2 semaphore(%run_scoped3A : memref<!tpu.dma_semaphore, #tpu.memory_space<semaphore_mem>>) src(%arg3 : memref<5120xf32, #tpu.memory_space<hbm>>) dst(%arg15 : memref<5120xf32, #tpu.memory_space<vmem>>)
        tpu.yield
      }) : () -> ()
      "tpu.region"() ({
        %run_scoped3A = tpu.sem_alloc : memref<!tpu.dma_semaphore, #tpu.memory_space<semaphore_mem>>
        tpu.enqueue_dma source(%arg4 : memref<5120xf32, #tpu.memory_space<hbm>>) target(%arg16 : memref<5120xf32, #tpu.memory_space<vmem>>) target_semaphore(%run_scoped3A : memref<!tpu.dma_semaphore, #tpu.memory_space<semaphore_mem>>)
        tpu.wait_dma2 semaphore(%run_scoped3A : memref<!tpu.dma_semaphore, #tpu.memory_space<semaphore_mem>>) src(%arg4 : memref<5120xf32, #tpu.memory_space<hbm>>) dst(%arg16 : memref<5120xf32, #tpu.memory_space<vmem>>)
        tpu.yield
      }) : () -> ()
      "tpu.region"() ({
        %run_scoped3A = tpu.sem_alloc : memref<!tpu.dma_semaphore, #tpu.memory_space<semaphore_mem>>
        tpu.enqueue_dma source(%arg5 : memref<5120xf32, #tpu.memory_space<hbm>>) target(%arg17 : memref<5120xf32, #tpu.memory_space<vmem>>) target_semaphore(%run_scoped3A : memref<!tpu.dma_semaphore, #tpu.memory_space<semaphore_mem>>)
        tpu.wait_dma2 semaphore(%run_scoped3A : memref<!tpu.dma_semaphore, #tpu.memory_space<semaphore_mem>>) src(%arg5 : memref<5120xf32, #tpu.memory_space<hbm>>) dst(%arg17 : memref<5120xf32, #tpu.memory_space<vmem>>)
        tpu.yield
      }) : () -> ()
      "tpu.region"() ({
        %run_scoped3A = tpu.sem_alloc : memref<!tpu.dma_semaphore, #tpu.memory_space<semaphore_mem>>
        tpu.enqueue_dma source(%arg6 : memref<5120xf32, #tpu.memory_space<hbm>>) target(%arg18 : memref<5120xf32, #tpu.memory_space<vmem>>) target_semaphore(%run_scoped3A : memref<!tpu.dma_semaphore, #tpu.memory_space<semaphore_mem>>)
        tpu.wait_dma2 semaphore(%run_scoped3A : memref<!tpu.dma_semaphore, #tpu.memory_space<semaphore_mem>>) src(%arg6 : memref<5120xf32, #tpu.memory_space<hbm>>) dst(%arg18 : memref<5120xf32, #tpu.memory_space<vmem>>)
        tpu.yield
      }) : () -> ()
      %broadcast_in_dim3A = arith.constant 0 : i32
      %broadcast_in_dim3A_3 = vector.broadcast %broadcast_in_dim3A : i32 to vector<16xi32>
      %broadcast_in_dim3A_4 = arith.constant 0.000000e+00 : f32
      %broadcast_in_dim3A_5 = vector.broadcast %broadcast_in_dim3A_4 : f32 to vector<16xf32>
      %scan3A = arith.constant 0 : i32
      %scan3A_6 = arith.constant 0 : i32
      %scan3A_7 = arith.constant 320 : i32
      %scan3A_8 = arith.addi %scan3A_6, %scan3A_7 : i32
      %scan3A_9 = arith.constant 1 : i32
      scf.for %scan3A_23 = %scan3A_6 to %scan3A_8 step %scan3A_9  : i32 {
        %mul3A_24 = arith.constant 16 : i32
        %mul3A_25 = arith.muli %scan3A_23, %mul3A_24 : i32
        %swap3A_26 = arith.index_cast %mul3A_25 : i32 to index
        %swap3A_27 = tpu.vector_load %arg19[%swap3A_26] {strides = array<i32>} : memref<5120xi32, #tpu.memory_space<vmem>>, vector<16xi32>,
        tpu.vector_store %arg19[%swap3A_26], %broadcast_in_dim3A_3 {strides = array<i32>} : memref<5120xi32, #tpu.memory_space<vmem>>, vector<16xi32>,
        %sub3A = arith.constant 3.000000e+00 : f32
        %sub3A_28 = vector.broadcast %sub3A : f32 to vector<16xf32>
        %sub3A_29 = arith.subf %broadcast_in_dim3A_5, %sub3A_28 : vector<16xf32>
        %swap3A_30 = arith.index_cast %mul3A_25 : i32 to index
        %swap3A_31 = tpu.vector_load %arg20[%swap3A_30] {strides = array<i32>} : memref<5120xf32, #tpu.memory_space<vmem>>, vector<16xf32>,
        tpu.vector_store %arg20[%swap3A_30], %sub3A_29 {strides = array<i32>} : memref<5120xf32, #tpu.memory_space<vmem>>, vector<16xf32>,
        %swap3A_32 = arith.index_cast %mul3A_25 : i32 to index
        %swap3A_33 = tpu.vector_load %arg21[%swap3A_32] {strides = array<i32>} : memref<5120xf32, #tpu.memory_space<vmem>>, vector<16xf32>,
        tpu.vector_store %arg21[%swap3A_32], %broadcast_in_dim3A_5 {strides = array<i32>} : memref<5120xf32, #tpu.memory_space<vmem>>, vector<16xf32>,
      }
      %scan3A_10 = arith.constant 320 : i32
      %scan3A_11 = arith.constant 0 : i32
      %scan3A_12 = arith.constant 0 : i32
      %scan3A_13 = arith.constant 320 : i32
      %scan3A_14 = arith.addi %scan3A_12, %scan3A_13 : i32
      %scan3A_15 = arith.constant 1 : i32
      %scan3A_16 = scf.for %scan3A_23 = %scan3A_12 to %scan3A_14 step %scan3A_15 iter_args(%scan3A_24 = %scan3A_11) -> (i32)  : i32 {
        %mul3A_25 = arith.constant 16 : i32
        %mul3A_26 = arith.muli %scan3A_23, %mul3A_25 : i32
        %get3A = arith.index_cast %mul3A_26 : i32 to index
        %get3A_27 = tpu.vector_load %arg14[%get3A] {strides = array<i32>} : memref<5120xf32, #tpu.memory_space<vmem>>, vector<16xf32>,
        %ge3A = arith.constant 1.000000e-01 : f32
        %ge3A_28 = vector.broadcast %ge3A : f32 to vector<16xf32>
        %ge3A_29 = arith.cmpf oge, %get3A_27, %ge3A_28 : vector<16xf32>
        %convert_element_type3A_30 = arith.extui %ge3A_29 : vector<16xi1> to vector<16xi32>
        %broadcast_in_dim3A_31 = arith.constant true
        %broadcast_in_dim3A_32 = vector.broadcast %broadcast_in_dim3A_31 : i1 to vector<16xi1>
        %masked_cumsum3A = tpu.scan <sum>, %convert_element_type3A_30 masked %broadcast_in_dim3A_32 : vector<16xi32>, vector<16xi1> -> vector<16xi32>
        %add3A_33 = vector.broadcast %scan3A_24 : i32 to vector<16xi32>
        %add3A_34 = arith.addi %add3A_33, %masked_cumsum3A : vector<16xi32>
        %sub3A = arith.subi %add3A_34, %convert_element_type3A_30 : vector<16xi32>
        %mul3A_35 = arith.constant 16 : i32
        %mul3A_36 = arith.muli %scan3A_23, %mul3A_35 : i32
        %iota3A = tpu.iota {dimensions = array<i32: 0>} : vector<16xi32>
        %add3A_37 = vector.broadcast %mul3A_36 : i32 to vector<16xi32>
        %add3A_38 = arith.addi %add3A_37, %iota3A : vector<16xi32>
        tpu.vector_store_idx %arg19[%sub3A], %add3A_38 masked %ge3A_29 : memref<5120xi32, #tpu.memory_space<vmem>>[vector<16xi32>], vector<16xi32>, vector<16xi1>
        tpu.vector_store_idx %arg20[%sub3A], %get3A_27 masked %ge3A_29 : memref<5120xf32, #tpu.memory_space<vmem>>[vector<16xi32>], vector<16xf32>, vector<16xi1>
        %get3A_39 = arith.index_cast %mul3A_26 : i32 to index
        %get3A_40 = tpu.vector_load %arg15[%get3A_39] {strides = array<i32>} : memref<5120xf32, #tpu.memory_space<vmem>>, vector<16xf32>,
        tpu.vector_store_idx %arg21[%sub3A], %get3A_40 masked %ge3A_29 : memref<5120xf32, #tpu.memory_space<vmem>>[vector<16xi32>], vector<16xf32>, vector<16xi1>
        %get3A_41 = arith.index_cast %mul3A_26 : i32 to index
        %get3A_42 = tpu.vector_load %arg16[%get3A_41] {strides = array<i32>} : memref<5120xf32, #tpu.memory_space<vmem>>, vector<16xf32>,
        tpu.vector_store_idx %arg22[%sub3A], %get3A_42 masked %ge3A_29 : memref<5120xf32, #tpu.memory_space<vmem>>[vector<16xi32>], vector<16xf32>, vector<16xi1>
        %get3A_43 = arith.index_cast %mul3A_26 : i32 to index
        %get3A_44 = tpu.vector_load %arg17[%get3A_43] {strides = array<i32>} : memref<5120xf32, #tpu.memory_space<vmem>>, vector<16xf32>,
        tpu.vector_store_idx %arg23[%sub3A], %get3A_44 masked %ge3A_29 : memref<5120xf32, #tpu.memory_space<vmem>>[vector<16xi32>], vector<16xf32>, vector<16xi1>
        %get3A_45 = arith.index_cast %mul3A_26 : i32 to index
        %get3A_46 = tpu.vector_load %arg18[%get3A_45] {strides = array<i32>} : memref<5120xf32, #tpu.memory_space<vmem>>, vector<16xf32>,
        tpu.vector_store_idx %arg24[%sub3A], %get3A_46 masked %ge3A_29 : memref<5120xf32, #tpu.memory_space<vmem>>[vector<16xi32>], vector<16xf32>, vector<16xi1>
        %reduce_sum3A = arith.constant true
        %reduce_sum3A_47 = vector.broadcast %reduce_sum3A : i1 to vector<16xi1>
        %reduce_sum3A_48 = tpu.scan <sum>, %convert_element_type3A_30 masked %reduce_sum3A_47 : vector<16xi32>, vector<16xi1> -> vector<16xi32>
        %reduce_sum3A_49 = vector.extract %reduce_sum3A_48[15] : i32 from vector<16xi32>
        %add3A_50 = arith.addi %scan3A_24, %reduce_sum3A_49 : i32
        scf.yield %add3A_50 : i32
      }
      %scan3A_17 = arith.constant 320 : i32
      %broadcast_in_dim3A_18 = arith.constant 0 : i32
      %broadcast_in_dim3A_19 = vector.broadcast %broadcast_in_dim3A_18 : i32 to vector<16xi32>
      %add3A_20 = vector.broadcast %scan3A_16 : i32 to vector<16xi32>
      %add3A_21 = arith.addi %broadcast_in_dim3A_19, %add3A_20 : vector<16xi32>
      %swap3A = arith.constant 0 : index
      %swap3A_22 = tpu.vector_load %arg25[%swap3A] {strides = array<i32>} : memref<16xi32, #tpu.memory_space<vmem>>, vector<16xi32>,
      tpu.vector_store %arg25[%swap3A], %add3A_21 {strides = array<i32>} : memref<16xi32, #tpu.memory_space<vmem>>, vector<16xi32>,
      "tpu.region"() ({
        %run_scoped3A = tpu.sem_alloc : memref<!tpu.dma_semaphore, #tpu.memory_space<semaphore_mem>>
        tpu.enqueue_dma source(%arg19 : memref<5120xi32, #tpu.memory_space<vmem>>) target(%arg7 : memref<5120xi32, #tpu.memory_space<hbm>>) target_semaphore(%run_scoped3A : memref<!tpu.dma_semaphore, #tpu.memory_space<semaphore_mem>>)
        tpu.wait_dma2 semaphore(%run_scoped3A : memref<!tpu.dma_semaphore, #tpu.memory_space<semaphore_mem>>) src(%arg19 : memref<5120xi32, #tpu.memory_space<vmem>>) dst(%arg7 : memref<5120xi32, #tpu.memory_space<hbm>>)
        tpu.yield
      }) : () -> ()
      "tpu.region"() ({
        %run_scoped3A = tpu.sem_alloc : memref<!tpu.dma_semaphore, #tpu.memory_space<semaphore_mem>>
        tpu.enqueue_dma source(%arg20 : memref<5120xf32, #tpu.memory_space<vmem>>) target(%arg8 : memref<5120xf32, #tpu.memory_space<hbm>>) target_semaphore(%run_scoped3A : memref<!tpu.dma_semaphore, #tpu.memory_space<semaphore_mem>>)
        tpu.wait_dma2 semaphore(%run_scoped3A : memref<!tpu.dma_semaphore, #tpu.memory_space<semaphore_mem>>) src(%arg20 : memref<5120xf32, #tpu.memory_space<vmem>>) dst(%arg8 : memref<5120xf32, #tpu.memory_space<hbm>>)
        tpu.yield
      }) : () -> ()
      "tpu.region"() ({
        %run_scoped3A = tpu.sem_alloc : memref<!tpu.dma_semaphore, #tpu.memory_space<semaphore_mem>>
        tpu.enqueue_dma source(%arg21 : memref<5120xf32, #tpu.memory_space<vmem>>) target(%arg9 : memref<5120xf32, #tpu.memory_space<hbm>>) target_semaphore(%run_scoped3A : memref<!tpu.dma_semaphore, #tpu.memory_space<semaphore_mem>>)
        tpu.wait_dma2 semaphore(%run_scoped3A : memref<!tpu.dma_semaphore, #tpu.memory_space<semaphore_mem>>) src(%arg21 : memref<5120xf32, #tpu.memory_space<vmem>>) dst(%arg9 : memref<5120xf32, #tpu.memory_space<hbm>>)
        tpu.yield
      }) : () -> ()
      "tpu.region"() ({
        %run_scoped3A = tpu.sem_alloc : memref<!tpu.dma_semaphore, #tpu.memory_space<semaphore_mem>>
        tpu.enqueue_dma source(%arg22 : memref<5120xf32, #tpu.memory_space<vmem>>) target(%arg10 : memref<5120xf32, #tpu.memory_space<hbm>>) target_semaphore(%run_scoped3A : memref<!tpu.dma_semaphore, #tpu.memory_space<semaphore_mem>>)
        tpu.wait_dma2 semaphore(%run_scoped3A : memref<!tpu.dma_semaphore, #tpu.memory_space<semaphore_mem>>) src(%arg22 : memref<5120xf32, #tpu.memory_space<vmem>>) dst(%arg10 : memref<5120xf32, #tpu.memory_space<hbm>>)
        tpu.yield
      }) : () -> ()
      "tpu.region"() ({
        %run_scoped3A = tpu.sem_alloc : memref<!tpu.dma_semaphore, #tpu.memory_space<semaphore_mem>>
        tpu.enqueue_dma source(%arg23 : memref<5120xf32, #tpu.memory_space<vmem>>) target(%arg11 : memref<5120xf32, #tpu.memory_space<hbm>>) target_semaphore(%run_scoped3A : memref<!tpu.dma_semaphore, #tpu.memory_space<semaphore_mem>>)
        tpu.wait_dma2 semaphore(%run_scoped3A : memref<!tpu.dma_semaphore, #tpu.memory_space<semaphore_mem>>) src(%arg23 : memref<5120xf32, #tpu.memory_space<vmem>>) dst(%arg11 : memref<5120xf32, #tpu.memory_space<hbm>>)
        tpu.yield
      }) : () -> ()
      "tpu.region"() ({
        %run_scoped3A = tpu.sem_alloc : memref<!tpu.dma_semaphore, #tpu.memory_space<semaphore_mem>>
        tpu.enqueue_dma source(%arg24 : memref<5120xf32, #tpu.memory_space<vmem>>) target(%arg12 : memref<5120xf32, #tpu.memory_space<hbm>>) target_semaphore(%run_scoped3A : memref<!tpu.dma_semaphore, #tpu.memory_space<semaphore_mem>>)
        tpu.wait_dma2 semaphore(%run_scoped3A : memref<!tpu.dma_semaphore, #tpu.memory_space<semaphore_mem>>) src(%arg24 : memref<5120xf32, #tpu.memory_space<vmem>>) dst(%arg12 : memref<5120xf32, #tpu.memory_space<hbm>>)
        tpu.yield
      }) : () -> ()
      "tpu.region"() ({
        %run_scoped3A = tpu.sem_alloc : memref<!tpu.dma_semaphore, #tpu.memory_space<semaphore_mem>>
        tpu.enqueue_dma source(%arg25 : memref<16xi32, #tpu.memory_space<vmem>>) target(%arg13 : memref<16xi32, #tpu.memory_space<hbm>>) target_semaphore(%run_scoped3A : memref<!tpu.dma_semaphore, #tpu.memory_space<semaphore_mem>>)
        tpu.wait_dma2 semaphore(%run_scoped3A : memref<!tpu.dma_semaphore, #tpu.memory_space<semaphore_mem>>) src(%arg25 : memref<16xi32, #tpu.memory_space<vmem>>) dst(%arg13 : memref<16xi32, #tpu.memory_space<hbm>>)
        tpu.yield
      }) : () -> ()
    } else {
    }
    return
  }
}

module attributes {stable_mosaic.version = 14 : i64} {
  func.func @_suppress_body(%arg0: i32, %arg1: memref<1024x1xf32, #tpu.memory_space<vmem>>, %arg2: memref<1024x1xf32, #tpu.memory_space<vmem>>, %arg3: memref<1024x1xf32, #tpu.memory_space<vmem>>, %arg4: memref<1024x1xf32, #tpu.memory_space<vmem>>, %arg5: memref<1024x1xf32, #tpu.memory_space<vmem>>, %arg6: memref<10x1x512xf32, #tpu.memory_space<vmem>>, %arg7: memref<10x1x512xf32, #tpu.memory_space<vmem>>, %arg8: memref<10x1x512xf32, #tpu.memory_space<vmem>>, %arg9: memref<10x1x512xf32, #tpu.memory_space<vmem>>, %arg10: memref<10x1x512xf32, #tpu.memory_space<vmem>>, %arg11: memref<1x1xi32, #tpu.memory_space<smem>>, %arg12: memref<1x1xf32, #tpu.memory_space<smem>>, %arg13: memref<1x1xf32, #tpu.memory_space<smem>>, %arg14: memref<1024x1xf32, #tpu.memory_space<vmem>>) attributes {dimension_semantics = [#tpu.dimension_semantics<arbitrary>], iteration_bounds = array<i64: 5>, scalar_prefetch = 0 : i64, scratch_operands = 0 : i64, tpu.core_type = #tpu.core_type<tc>, window_params = [{transform_indices = @transform_0, window_bounds = array<i64: 1024, 1>}, {transform_indices = @transform_1, window_bounds = array<i64: 1024, 1>}, {transform_indices = @transform_2, window_bounds = array<i64: 1024, 1>}, {transform_indices = @transform_3, window_bounds = array<i64: 1024, 1>}, {transform_indices = @transform_4, window_bounds = array<i64: 1024, 1>}, {pipeline_mode = #tpu.pipeline_mode<synchronous>, transform_indices = @transform_5, window_bounds = array<i64: 10, 1, 512>}, {pipeline_mode = #tpu.pipeline_mode<synchronous>, transform_indices = @transform_6, window_bounds = array<i64: 10, 1, 512>}, {pipeline_mode = #tpu.pipeline_mode<synchronous>, transform_indices = @transform_7, window_bounds = array<i64: 10, 1, 512>}, {pipeline_mode = #tpu.pipeline_mode<synchronous>, transform_indices = @transform_8, window_bounds = array<i64: 10, 1, 512>}, {pipeline_mode = #tpu.pipeline_mode<synchronous>, transform_indices = @transform_9, window_bounds = array<i64: 10, 1, 512>}, {transform_indices = @transform_10, window_bounds = array<i64: 1, 1>}, {transform_indices = @transform_11, window_bounds = array<i64: 1, 1>}, {transform_indices = @transform_12, window_bounds = array<i64: 1, 1>}, {transform_indices = @transform_13, window_bounds = array<i64: 1024, 1>}]} {
    %mul3A = arith.constant 1024 : i32
    %mul3A_0 = arith.muli %arg0, %mul3A : i32
    %iota3A = tpu.iota {dimensions = array<i32: 0>} : vector<1024x1xi32>
    %add3A = vector.broadcast %mul3A_0 : i32 to vector<1024x1xi32>
    %add3A_1 = arith.addi %add3A, %iota3A : vector<1024x1xi32>
    %lt3A = arith.constant 5000 : i32
    %lt3A_2 = vector.broadcast %lt3A : i32 to vector<1024x1xi32>
    %lt3A_3 = arith.cmpi slt, %add3A_1, %lt3A_2 : vector<1024x1xi32>
    %get3A = arith.constant 0 : index
    %get3A_4 = arith.constant 0 : index
    %get3A_5 = vector.load %arg1[%get3A, %get3A_4] : memref<1024x1xf32, #tpu.memory_space<vmem>>, vector<1024x1xf32>
    %get3A_6 = arith.constant 0 : index
    %get3A_7 = arith.constant 0 : index
    %get3A_8 = vector.load %arg2[%get3A_6, %get3A_7] : memref<1024x1xf32, #tpu.memory_space<vmem>>, vector<1024x1xf32>
    %get3A_9 = arith.constant 0 : index
    %get3A_10 = arith.constant 0 : index
    %get3A_11 = vector.load %arg3[%get3A_9, %get3A_10] : memref<1024x1xf32, #tpu.memory_space<vmem>>, vector<1024x1xf32>
    %get3A_12 = arith.constant 0 : index
    %get3A_13 = arith.constant 0 : index
    %get3A_14 = vector.load %arg4[%get3A_12, %get3A_13] : memref<1024x1xf32, #tpu.memory_space<vmem>>, vector<1024x1xf32>
    %get3A_15 = arith.constant 0 : index
    %get3A_16 = arith.constant 0 : index
    %get3A_17 = vector.load %arg5[%get3A_15, %get3A_16] : memref<1024x1xf32, #tpu.memory_space<vmem>>, vector<1024x1xf32>
    %get3A_18 = arith.constant 0 : index
    %get3A_19 = arith.constant 0 : index
    %get3A_20 = memref.load %arg12[%get3A_18, %get3A_19] : memref<1x1xf32, #tpu.memory_space<smem>>
    %get3A_21 = arith.constant 0 : index
    %get3A_22 = arith.constant 0 : index
    %get3A_23 = memref.load %arg13[%get3A_21, %get3A_22] : memref<1x1xf32, #tpu.memory_space<smem>>
    %get3A_24 = arith.constant 0 : index
    %get3A_25 = arith.constant 0 : index
    %get3A_26 = memref.load %arg11[%get3A_24, %get3A_25] : memref<1x1xi32, #tpu.memory_space<smem>>
    %broadcast_in_dim3A = arith.constant 0.000000e+00 : f32
    %broadcast_in_dim3A_27 = vector.broadcast %broadcast_in_dim3A : f32 to vector<1024x1xf32>
    %while3A = arith.constant 0 : i32
    %while3A_28 = arith.subi %get3A_26, %while3A : i32
    %while3A_29 = arith.addi %while3A, %while3A_28 : i32
    %while3A_30 = arith.constant 1 : i32
    %while3A_31 = arith.divsi %while3A_28, %while3A_30 : i32
    %while3A_32 = arith.muli %while3A_31, %while3A_30 : i32
    %while3A_33 = arith.addi %while3A, %while3A_32 : i32
    %while3A_34 = arith.constant 1 : i32
    %while3A_35 = scf.for %while3A_50 = %while3A to %while3A_33 step %while3A_34 iter_args(%while3A_51 = %broadcast_in_dim3A_27) -> (vector<1024x1xf32>)  : i32 {
      %get3A_52 = arith.index_cast %while3A_50 : i32 to index
      %get3A_53 = arith.constant 0 : index
      %get3A_54 = arith.constant 0 : index
      %get3A_55 = vector.load %arg6[%get3A_52, %get3A_53, %get3A_54] : memref<10x1x512xf32, #tpu.memory_space<vmem>>, vector<1x1x512xf32>
      %get3A_56 = vector.shape_cast %get3A_55 : vector<1x1x512xf32> to vector<1x512xf32>
      %get3A_57 = arith.index_cast %while3A_50 : i32 to index
      %get3A_58 = arith.constant 0 : index
      %get3A_59 = arith.constant 0 : index
      %get3A_60 = vector.load %arg7[%get3A_57, %get3A_58, %get3A_59] : memref<10x1x512xf32, #tpu.memory_space<vmem>>, vector<1x1x512xf32>
      %get3A_61 = vector.shape_cast %get3A_60 : vector<1x1x512xf32> to vector<1x512xf32>
      %get3A_62 = arith.index_cast %while3A_50 : i32 to index
      %get3A_63 = arith.constant 0 : index
      %get3A_64 = arith.constant 0 : index
      %get3A_65 = vector.load %arg8[%get3A_62, %get3A_63, %get3A_64] : memref<10x1x512xf32, #tpu.memory_space<vmem>>, vector<1x1x512xf32>
      %get3A_66 = vector.shape_cast %get3A_65 : vector<1x1x512xf32> to vector<1x512xf32>
      %get3A_67 = arith.index_cast %while3A_50 : i32 to index
      %get3A_68 = arith.constant 0 : index
      %get3A_69 = arith.constant 0 : index
      %get3A_70 = vector.load %arg9[%get3A_67, %get3A_68, %get3A_69] : memref<10x1x512xf32, #tpu.memory_space<vmem>>, vector<1x1x512xf32>
      %get3A_71 = vector.shape_cast %get3A_70 : vector<1x1x512xf32> to vector<1x512xf32>
      %get3A_72 = arith.index_cast %while3A_50 : i32 to index
      %get3A_73 = arith.constant 0 : index
      %get3A_74 = arith.constant 0 : index
      %get3A_75 = vector.load %arg10[%get3A_72, %get3A_73, %get3A_74] : memref<10x1x512xf32, #tpu.memory_space<vmem>>, vector<1x1x512xf32>
      %get3A_76 = vector.shape_cast %get3A_75 : vector<1x1x512xf32> to vector<1x512xf32>
      %mul3A_77 = arith.mulf %get3A_5, %get3A_5 : vector<1024x1xf32>
      %mul3A_78 = arith.mulf %get3A_8, %get3A_8 : vector<1024x1xf32>
      %add3A_79 = arith.addf %mul3A_77, %mul3A_78 : vector<1024x1xf32>
      %mul3A_80 = arith.mulf %get3A_56, %get3A_56 : vector<1x512xf32>
      %mul3A_81 = arith.mulf %get3A_61, %get3A_61 : vector<1x512xf32>
      %add3A_82 = arith.addf %mul3A_80, %mul3A_81 : vector<1x512xf32>
      %add3A_83 = vector.broadcast %add3A_79 : vector<1024x1xf32> to vector<1024x512xf32>
      %add3A_84 = vector.broadcast %add3A_82 : vector<1x512xf32> to vector<1024x512xf32>
      %add3A_85 = arith.addf %add3A_83, %add3A_84 : vector<1024x512xf32>
      %mul3A_86 = vector.broadcast %get3A_5 : vector<1024x1xf32> to vector<1024x512xf32>
      %mul3A_87 = vector.broadcast %get3A_56 : vector<1x512xf32> to vector<1024x512xf32>
      %mul3A_88 = arith.mulf %mul3A_86, %mul3A_87 : vector<1024x512xf32>
      %mul3A_89 = vector.broadcast %get3A_8 : vector<1024x1xf32> to vector<1024x512xf32>
      %mul3A_90 = vector.broadcast %get3A_61 : vector<1x512xf32> to vector<1024x512xf32>
      %mul3A_91 = arith.mulf %mul3A_89, %mul3A_90 : vector<1024x512xf32>
      %add3A_92 = arith.addf %mul3A_88, %mul3A_91 : vector<1024x512xf32>
      %mul3A_93 = arith.constant 2.000000e+00 : f32
      %mul3A_94 = vector.broadcast %mul3A_93 : f32 to vector<1024x512xf32>
      %mul3A_95 = arith.mulf %mul3A_94, %add3A_92 : vector<1024x512xf32>
      %sub3A = arith.subf %add3A_85, %mul3A_95 : vector<1024x512xf32>
      %abs3A = math.absf %sub3A : vector<1024x512xf32>
      %mul3A_96 = arith.mulf %get3A_11, %get3A_11 : vector<1024x1xf32>
      %mul3A_97 = arith.mulf %get3A_14, %get3A_14 : vector<1024x1xf32>
      %add3A_98 = arith.addf %mul3A_96, %mul3A_97 : vector<1024x1xf32>
      %mul3A_99 = arith.mulf %get3A_66, %get3A_66 : vector<1x512xf32>
      %mul3A_100 = arith.mulf %get3A_71, %get3A_71 : vector<1x512xf32>
      %add3A_101 = arith.addf %mul3A_99, %mul3A_100 : vector<1x512xf32>
      %add3A_102 = vector.broadcast %add3A_98 : vector<1024x1xf32> to vector<1024x512xf32>
      %add3A_103 = vector.broadcast %add3A_101 : vector<1x512xf32> to vector<1024x512xf32>
      %add3A_104 = arith.addf %add3A_102, %add3A_103 : vector<1024x512xf32>
      %mul3A_105 = vector.broadcast %get3A_11 : vector<1024x1xf32> to vector<1024x512xf32>
      %mul3A_106 = vector.broadcast %get3A_66 : vector<1x512xf32> to vector<1024x512xf32>
      %mul3A_107 = arith.mulf %mul3A_105, %mul3A_106 : vector<1024x512xf32>
      %mul3A_108 = vector.broadcast %get3A_14 : vector<1024x1xf32> to vector<1024x512xf32>
      %mul3A_109 = vector.broadcast %get3A_71 : vector<1x512xf32> to vector<1024x512xf32>
      %mul3A_110 = arith.mulf %mul3A_108, %mul3A_109 : vector<1024x512xf32>
      %add3A_111 = arith.addf %mul3A_107, %mul3A_110 : vector<1024x512xf32>
      %mul3A_112 = arith.constant 2.000000e+00 : f32
      %mul3A_113 = vector.broadcast %mul3A_112 : f32 to vector<1024x512xf32>
      %mul3A_114 = arith.mulf %mul3A_113, %add3A_111 : vector<1024x512xf32>
      %sub3A_115 = arith.subf %add3A_104, %mul3A_114 : vector<1024x512xf32>
      %abs3A_116 = math.absf %sub3A_115 : vector<1024x512xf32>
      %lt3A_117 = vector.broadcast %get3A_20 : f32 to vector<1024x512xf32>
      %lt3A_118 = arith.cmpf olt, %abs3A, %lt3A_117 : vector<1024x512xf32>
      %lt3A_119 = vector.broadcast %get3A_23 : f32 to vector<1024x512xf32>
      %lt3A_120 = arith.cmpf olt, %abs3A_116, %lt3A_119 : vector<1024x512xf32>
      %or3A = arith.ori %lt3A_118, %lt3A_120 : vector<1024x512xi1>
      %gt3A_121 = vector.broadcast %get3A_76 : vector<1x512xf32> to vector<1024x512xf32>
      %gt3A_122 = vector.broadcast %get3A_17 : vector<1024x1xf32> to vector<1024x512xf32>
      %gt3A_123 = arith.cmpf ogt, %gt3A_121, %gt3A_122 : vector<1024x512xf32>
      %and3A_124 = arith.andi %gt3A_123, %or3A : vector<1024x512xi1>
      %reduce_or3A = arith.constant 1.000000e+00 : f32
      %reduce_or3A_125 = arith.constant 0.000000e+00 : f32
      %reduce_or3A_126 = vector.broadcast %reduce_or3A : f32 to vector<1024x512xf32>
      %reduce_or3A_127 = vector.broadcast %reduce_or3A_125 : f32 to vector<1024x512xf32>
      %reduce_or3A_128 = arith.select %and3A_124, %reduce_or3A_126, %reduce_or3A_127 : vector<1024x512xi1>, vector<1024x512xf32>
      %reduce_or3A_129 = arith.constant dense<0xFF800000> : vector<1024xf32>
      %reduce_or3A_130 = vector.multi_reduction <maximumf>, %reduce_or3A_128, %reduce_or3A_129 [1] : vector<1024x512xf32> to vector<1024xf32>
      %reduce_or3A_131 = arith.constant 0.000000e+00 : f32
      %reduce_or3A_132 = vector.broadcast %reduce_or3A_131 : f32 to vector<1024xf32>
      %reduce_or3A_133 = arith.cmpf ogt, %reduce_or3A_130, %reduce_or3A_132 : vector<1024xf32>
      %broadcast_in_dim3A_134 = vector.shape_cast %reduce_or3A_133 : vector<1024xi1> to vector<1024x1xi1>
      %convert_element_type3A = arith.extui %broadcast_in_dim3A_134 : vector<1024x1xi1> to vector<1024x1xi32>
      %convert_element_type3A_135 = arith.sitofp %convert_element_type3A : vector<1024x1xi32> to vector<1024x1xf32>
      %max3A = arith.maximumf %while3A_51, %convert_element_type3A_135 : vector<1024x1xf32>
      scf.yield %max3A : vector<1024x1xf32>
    }
    %while3A_36 = arith.constant 1 : i32
    %while3A_37 = scf.for %while3A_50 = %while3A_33 to %while3A_29 step %while3A_36 iter_args(%while3A_51 = %while3A_35) -> (vector<1024x1xf32>)  : i32 {
      %get3A_52 = arith.index_cast %while3A_50 : i32 to index
      %get3A_53 = arith.constant 0 : index
      %get3A_54 = arith.constant 0 : index
      %get3A_55 = vector.load %arg6[%get3A_52, %get3A_53, %get3A_54] : memref<10x1x512xf32, #tpu.memory_space<vmem>>, vector<1x1x512xf32>
      %get3A_56 = vector.shape_cast %get3A_55 : vector<1x1x512xf32> to vector<1x512xf32>
      %get3A_57 = arith.index_cast %while3A_50 : i32 to index
      %get3A_58 = arith.constant 0 : index
      %get3A_59 = arith.constant 0 : index
      %get3A_60 = vector.load %arg7[%get3A_57, %get3A_58, %get3A_59] : memref<10x1x512xf32, #tpu.memory_space<vmem>>, vector<1x1x512xf32>
      %get3A_61 = vector.shape_cast %get3A_60 : vector<1x1x512xf32> to vector<1x512xf32>
      %get3A_62 = arith.index_cast %while3A_50 : i32 to index
      %get3A_63 = arith.constant 0 : index
      %get3A_64 = arith.constant 0 : index
      %get3A_65 = vector.load %arg8[%get3A_62, %get3A_63, %get3A_64] : memref<10x1x512xf32, #tpu.memory_space<vmem>>, vector<1x1x512xf32>
      %get3A_66 = vector.shape_cast %get3A_65 : vector<1x1x512xf32> to vector<1x512xf32>
      %get3A_67 = arith.index_cast %while3A_50 : i32 to index
      %get3A_68 = arith.constant 0 : index
      %get3A_69 = arith.constant 0 : index
      %get3A_70 = vector.load %arg9[%get3A_67, %get3A_68, %get3A_69] : memref<10x1x512xf32, #tpu.memory_space<vmem>>, vector<1x1x512xf32>
      %get3A_71 = vector.shape_cast %get3A_70 : vector<1x1x512xf32> to vector<1x512xf32>
      %get3A_72 = arith.index_cast %while3A_50 : i32 to index
      %get3A_73 = arith.constant 0 : index
      %get3A_74 = arith.constant 0 : index
      %get3A_75 = vector.load %arg10[%get3A_72, %get3A_73, %get3A_74] : memref<10x1x512xf32, #tpu.memory_space<vmem>>, vector<1x1x512xf32>
      %get3A_76 = vector.shape_cast %get3A_75 : vector<1x1x512xf32> to vector<1x512xf32>
      %mul3A_77 = arith.mulf %get3A_5, %get3A_5 : vector<1024x1xf32>
      %mul3A_78 = arith.mulf %get3A_8, %get3A_8 : vector<1024x1xf32>
      %add3A_79 = arith.addf %mul3A_77, %mul3A_78 : vector<1024x1xf32>
      %mul3A_80 = arith.mulf %get3A_56, %get3A_56 : vector<1x512xf32>
      %mul3A_81 = arith.mulf %get3A_61, %get3A_61 : vector<1x512xf32>
      %add3A_82 = arith.addf %mul3A_80, %mul3A_81 : vector<1x512xf32>
      %add3A_83 = vector.broadcast %add3A_79 : vector<1024x1xf32> to vector<1024x512xf32>
      %add3A_84 = vector.broadcast %add3A_82 : vector<1x512xf32> to vector<1024x512xf32>
      %add3A_85 = arith.addf %add3A_83, %add3A_84 : vector<1024x512xf32>
      %mul3A_86 = vector.broadcast %get3A_5 : vector<1024x1xf32> to vector<1024x512xf32>
      %mul3A_87 = vector.broadcast %get3A_56 : vector<1x512xf32> to vector<1024x512xf32>
      %mul3A_88 = arith.mulf %mul3A_86, %mul3A_87 : vector<1024x512xf32>
      %mul3A_89 = vector.broadcast %get3A_8 : vector<1024x1xf32> to vector<1024x512xf32>
      %mul3A_90 = vector.broadcast %get3A_61 : vector<1x512xf32> to vector<1024x512xf32>
      %mul3A_91 = arith.mulf %mul3A_89, %mul3A_90 : vector<1024x512xf32>
      %add3A_92 = arith.addf %mul3A_88, %mul3A_91 : vector<1024x512xf32>
      %mul3A_93 = arith.constant 2.000000e+00 : f32
      %mul3A_94 = vector.broadcast %mul3A_93 : f32 to vector<1024x512xf32>
      %mul3A_95 = arith.mulf %mul3A_94, %add3A_92 : vector<1024x512xf32>
      %sub3A = arith.subf %add3A_85, %mul3A_95 : vector<1024x512xf32>
      %abs3A = math.absf %sub3A : vector<1024x512xf32>
      %mul3A_96 = arith.mulf %get3A_11, %get3A_11 : vector<1024x1xf32>
      %mul3A_97 = arith.mulf %get3A_14, %get3A_14 : vector<1024x1xf32>
      %add3A_98 = arith.addf %mul3A_96, %mul3A_97 : vector<1024x1xf32>
      %mul3A_99 = arith.mulf %get3A_66, %get3A_66 : vector<1x512xf32>
      %mul3A_100 = arith.mulf %get3A_71, %get3A_71 : vector<1x512xf32>
      %add3A_101 = arith.addf %mul3A_99, %mul3A_100 : vector<1x512xf32>
      %add3A_102 = vector.broadcast %add3A_98 : vector<1024x1xf32> to vector<1024x512xf32>
      %add3A_103 = vector.broadcast %add3A_101 : vector<1x512xf32> to vector<1024x512xf32>
      %add3A_104 = arith.addf %add3A_102, %add3A_103 : vector<1024x512xf32>
      %mul3A_105 = vector.broadcast %get3A_11 : vector<1024x1xf32> to vector<1024x512xf32>
      %mul3A_106 = vector.broadcast %get3A_66 : vector<1x512xf32> to vector<1024x512xf32>
      %mul3A_107 = arith.mulf %mul3A_105, %mul3A_106 : vector<1024x512xf32>
      %mul3A_108 = vector.broadcast %get3A_14 : vector<1024x1xf32> to vector<1024x512xf32>
      %mul3A_109 = vector.broadcast %get3A_71 : vector<1x512xf32> to vector<1024x512xf32>
      %mul3A_110 = arith.mulf %mul3A_108, %mul3A_109 : vector<1024x512xf32>
      %add3A_111 = arith.addf %mul3A_107, %mul3A_110 : vector<1024x512xf32>
      %mul3A_112 = arith.constant 2.000000e+00 : f32
      %mul3A_113 = vector.broadcast %mul3A_112 : f32 to vector<1024x512xf32>
      %mul3A_114 = arith.mulf %mul3A_113, %add3A_111 : vector<1024x512xf32>
      %sub3A_115 = arith.subf %add3A_104, %mul3A_114 : vector<1024x512xf32>
      %abs3A_116 = math.absf %sub3A_115 : vector<1024x512xf32>
      %lt3A_117 = vector.broadcast %get3A_20 : f32 to vector<1024x512xf32>
      %lt3A_118 = arith.cmpf olt, %abs3A, %lt3A_117 : vector<1024x512xf32>
      %lt3A_119 = vector.broadcast %get3A_23 : f32 to vector<1024x512xf32>
      %lt3A_120 = arith.cmpf olt, %abs3A_116, %lt3A_119 : vector<1024x512xf32>
      %or3A = arith.ori %lt3A_118, %lt3A_120 : vector<1024x512xi1>
      %gt3A_121 = vector.broadcast %get3A_76 : vector<1x512xf32> to vector<1024x512xf32>
      %gt3A_122 = vector.broadcast %get3A_17 : vector<1024x1xf32> to vector<1024x512xf32>
      %gt3A_123 = arith.cmpf ogt, %gt3A_121, %gt3A_122 : vector<1024x512xf32>
      %and3A_124 = arith.andi %gt3A_123, %or3A : vector<1024x512xi1>
      %reduce_or3A = arith.constant 1.000000e+00 : f32
      %reduce_or3A_125 = arith.constant 0.000000e+00 : f32
      %reduce_or3A_126 = vector.broadcast %reduce_or3A : f32 to vector<1024x512xf32>
      %reduce_or3A_127 = vector.broadcast %reduce_or3A_125 : f32 to vector<1024x512xf32>
      %reduce_or3A_128 = arith.select %and3A_124, %reduce_or3A_126, %reduce_or3A_127 : vector<1024x512xi1>, vector<1024x512xf32>
      %reduce_or3A_129 = arith.constant dense<0xFF800000> : vector<1024xf32>
      %reduce_or3A_130 = vector.multi_reduction <maximumf>, %reduce_or3A_128, %reduce_or3A_129 [1] : vector<1024x512xf32> to vector<1024xf32>
      %reduce_or3A_131 = arith.constant 0.000000e+00 : f32
      %reduce_or3A_132 = vector.broadcast %reduce_or3A_131 : f32 to vector<1024xf32>
      %reduce_or3A_133 = arith.cmpf ogt, %reduce_or3A_130, %reduce_or3A_132 : vector<1024xf32>
      %broadcast_in_dim3A_134 = vector.shape_cast %reduce_or3A_133 : vector<1024xi1> to vector<1024x1xi1>
      %convert_element_type3A = arith.extui %broadcast_in_dim3A_134 : vector<1024x1xi1> to vector<1024x1xi32>
      %convert_element_type3A_135 = arith.sitofp %convert_element_type3A : vector<1024x1xi32> to vector<1024x1xf32>
      %max3A = arith.maximumf %while3A_51, %convert_element_type3A_135 : vector<1024x1xf32>
      scf.yield %max3A : vector<1024x1xf32>
    }
    %gt3A = arith.constant 0.000000e+00 : f32
    %gt3A_38 = vector.broadcast %gt3A : f32 to vector<1024x1xf32>
    %gt3A_39 = arith.cmpf ogt, %while3A_37, %gt3A_38 : vector<1024x1xf32>
    %ge3A = arith.constant 1.000000e-01 : f32
    %ge3A_40 = vector.broadcast %ge3A : f32 to vector<1024x1xf32>
    %ge3A_41 = arith.cmpf oge, %get3A_17, %ge3A_40 : vector<1024x1xf32>
    %and3A = arith.andi %lt3A_3, %ge3A_41 : vector<1024x1xi1>
    %not3A = arith.constant dense<true> : vector<1024x1xi1>
    %not3A_42 = arith.xori %gt3A_39, %not3A : vector<1024x1xi1>
    %and3A_43 = arith.andi %and3A, %not3A_42 : vector<1024x1xi1>
    %jit3A = arith.constant -1.000000e+00 : f32
    %jit3A_44 = arith.constant -2.000000e+00 : f32
    %broadcast_in_dim3A_45 = vector.broadcast %jit3A : f32 to vector<1024x1xf32>
    %broadcast_in_dim3A_46 = vector.broadcast %jit3A_44 : f32 to vector<1024x1xf32>
    %select_n3A = arith.select %lt3A_3, %broadcast_in_dim3A_45, %broadcast_in_dim3A_46 : vector<1024x1xi1>, vector<1024x1xf32>
    %select_n3A_47 = arith.select %and3A_43, %get3A_17, %select_n3A : vector<1024x1xi1>, vector<1024x1xf32>
    %swap3A = arith.constant 0 : index
    %swap3A_48 = arith.constant 0 : index
    %swap3A_49 = vector.load %arg14[%swap3A, %swap3A_48] : memref<1024x1xf32, #tpu.memory_space<vmem>>, vector<1024x1xf32>
    tpu.vector_store %arg14[%swap3A, %swap3A_48], %select_n3A_47 {strides = array<i32>} : memref<1024x1xf32, #tpu.memory_space<vmem>>, vector<1024x1xf32>,
    return
  }
  func.func @transform_0(%arg0: i32) -> (i32, i32) {
    %c0_i32 = arith.constant 0 : i32
    %c0_i32_0 = arith.constant 0 : i32
    return %arg0, %c0_i32 : i32, i32
  }
  func.func @transform_1(%arg0: i32) -> (i32, i32) {
    %c0_i32 = arith.constant 0 : i32
    %c0_i32_0 = arith.constant 0 : i32
    return %arg0, %c0_i32 : i32, i32
  }
  func.func @transform_2(%arg0: i32) -> (i32, i32) {
    %c0_i32 = arith.constant 0 : i32
    %c0_i32_0 = arith.constant 0 : i32
    return %arg0, %c0_i32 : i32, i32
  }
  func.func @transform_3(%arg0: i32) -> (i32, i32) {
    %c0_i32 = arith.constant 0 : i32
    %c0_i32_0 = arith.constant 0 : i32
    return %arg0, %c0_i32 : i32, i32
  }
  func.func @transform_4(%arg0: i32) -> (i32, i32) {
    %c0_i32 = arith.constant 0 : i32
    %c0_i32_0 = arith.constant 0 : i32
    return %arg0, %c0_i32 : i32, i32
  }
  func.func @transform_5(%arg0: i32) -> (i32, i32, i32) {
    %c0_i32 = arith.constant 0 : i32
    %c0_i32_0 = arith.constant 0 : i32
    %c0_i32_1 = arith.constant 0 : i32
    %c0_i32_2 = arith.constant 0 : i32
    return %c0_i32, %c0_i32_0, %c0_i32_1 : i32, i32, i32
  }
  func.func @transform_6(%arg0: i32) -> (i32, i32, i32) {
    %c0_i32 = arith.constant 0 : i32
    %c0_i32_0 = arith.constant 0 : i32
    %c0_i32_1 = arith.constant 0 : i32
    %c0_i32_2 = arith.constant 0 : i32
    return %c0_i32, %c0_i32_0, %c0_i32_1 : i32, i32, i32
  }
  func.func @transform_7(%arg0: i32) -> (i32, i32, i32) {
    %c0_i32 = arith.constant 0 : i32
    %c0_i32_0 = arith.constant 0 : i32
    %c0_i32_1 = arith.constant 0 : i32
    %c0_i32_2 = arith.constant 0 : i32
    return %c0_i32, %c0_i32_0, %c0_i32_1 : i32, i32, i32
  }
  func.func @transform_8(%arg0: i32) -> (i32, i32, i32) {
    %c0_i32 = arith.constant 0 : i32
    %c0_i32_0 = arith.constant 0 : i32
    %c0_i32_1 = arith.constant 0 : i32
    %c0_i32_2 = arith.constant 0 : i32
    return %c0_i32, %c0_i32_0, %c0_i32_1 : i32, i32, i32
  }
  func.func @transform_9(%arg0: i32) -> (i32, i32, i32) {
    %c0_i32 = arith.constant 0 : i32
    %c0_i32_0 = arith.constant 0 : i32
    %c0_i32_1 = arith.constant 0 : i32
    %c0_i32_2 = arith.constant 0 : i32
    return %c0_i32, %c0_i32_0, %c0_i32_1 : i32, i32, i32
  }
  func.func @transform_10(%arg0: i32) -> (i32, i32) {
    %c0_i32 = arith.constant 0 : i32
    %c0_i32_0 = arith.constant 0 : i32
    %c0_i32_1 = arith.constant 0 : i32
    return %c0_i32, %c0_i32_0 : i32, i32
  }
  func.func @transform_11(%arg0: i32) -> (i32, i32) {
    %c0_i32 = arith.constant 0 : i32
    %c0_i32_0 = arith.constant 0 : i32
    %c0_i32_1 = arith.constant 0 : i32
    return %c0_i32, %c0_i32_0 : i32, i32
  }
  func.func @transform_12(%arg0: i32) -> (i32, i32) {
    %c0_i32 = arith.constant 0 : i32
    %c0_i32_0 = arith.constant 0 : i32
    %c0_i32_1 = arith.constant 0 : i32
    return %c0_i32, %c0_i32_0 : i32, i32
  }
  func.func @transform_13(%arg0: i32) -> (i32, i32) {
    %c0_i32 = arith.constant 0 : i32
    %c0_i32_0 = arith.constant 0 : i32
    return %arg0, %c0_i32 : i32, i32
  }
}

module attributes {stable_mosaic.version = 14 : i64} {
  func.func @_sums_body(%arg0: i32, %arg1: memref<55xi32, #tpu.memory_space<smem>>, %arg2: memref<55xi32, #tpu.memory_space<smem>>, %arg3: memref<512x1xf32, #tpu.memory_space<vmem>>, %arg4: memref<512x1xf32, #tpu.memory_space<vmem>>, %arg5: memref<512x1xf32, #tpu.memory_space<vmem>>, %arg6: memref<512x1xf32, #tpu.memory_space<vmem>>, %arg7: memref<1x512xf32, #tpu.memory_space<vmem>>, %arg8: memref<1x512xf32, #tpu.memory_space<vmem>>, %arg9: memref<1x512xf32, #tpu.memory_space<vmem>>, %arg10: memref<1x512xf32, #tpu.memory_space<vmem>>, %arg11: memref<1x1xf32, #tpu.memory_space<smem>>, %arg12: memref<1x1xf32, #tpu.memory_space<smem>>) attributes {dimension_semantics = [#tpu.dimension_semantics<arbitrary>], iteration_bounds = array<i64: 55>, scalar_prefetch = 2 : i64, scratch_operands = 0 : i64, tpu.core_type = #tpu.core_type<tc>, window_params = [{transform_indices = @transform_0, window_bounds = array<i64: 512, 1>}, {transform_indices = @transform_1, window_bounds = array<i64: 512, 1>}, {transform_indices = @transform_2, window_bounds = array<i64: 512, 1>}, {transform_indices = @transform_3, window_bounds = array<i64: 512, 1>}, {transform_indices = @transform_4, window_bounds = array<i64: 1, 512>}, {transform_indices = @transform_5, window_bounds = array<i64: 1, 512>}, {transform_indices = @transform_6, window_bounds = array<i64: 1, 512>}, {transform_indices = @transform_7, window_bounds = array<i64: 1, 512>}, {transform_indices = @transform_8, window_bounds = array<i64: 1, 1>}, {transform_indices = @transform_9, window_bounds = array<i64: 1, 1>}]} {
    %get3A = arith.index_cast %arg0 : i32 to index
    %get3A_0 = memref.load %arg1[%get3A] : memref<55xi32, #tpu.memory_space<smem>>
    %get3A_1 = arith.index_cast %arg0 : i32 to index
    %get3A_2 = memref.load %arg2[%get3A_1] : memref<55xi32, #tpu.memory_space<smem>>
    %mul3A = arith.constant 512 : i32
    %mul3A_3 = arith.muli %get3A_0, %mul3A : i32
    %iota3A = tpu.iota {dimensions = array<i32: 0>} : vector<512x1xi32>
    %add3A = vector.broadcast %mul3A_3 : i32 to vector<512x1xi32>
    %add3A_4 = arith.addi %add3A, %iota3A : vector<512x1xi32>
    %mul3A_5 = arith.constant 512 : i32
    %mul3A_6 = arith.muli %get3A_2, %mul3A_5 : i32
    %iota3A_7 = tpu.iota {dimensions = array<i32: 1>} : vector<1x512xi32>
    %add3A_8 = vector.broadcast %mul3A_6 : i32 to vector<1x512xi32>
    %add3A_9 = arith.addi %add3A_8, %iota3A_7 : vector<1x512xi32>
    %lt3A = vector.broadcast %add3A_4 : vector<512x1xi32> to vector<512x512xi32>
    %lt3A_10 = vector.broadcast %add3A_9 : vector<1x512xi32> to vector<512x512xi32>
    %lt3A_11 = arith.cmpi slt, %lt3A, %lt3A_10 : vector<512x512xi32>
    %lt3A_12 = arith.constant 5000 : i32
    %lt3A_13 = vector.broadcast %lt3A_12 : i32 to vector<1x512xi32>
    %lt3A_14 = arith.cmpi slt, %add3A_9, %lt3A_13 : vector<1x512xi32>
    %and3A = vector.broadcast %lt3A_14 : vector<1x512xi1> to vector<512x512xi1>
    %and3A_15 = arith.andi %lt3A_11, %and3A : vector<512x512xi1>
    %get3A_16 = arith.constant 0 : index
    %get3A_17 = arith.constant 0 : index
    %get3A_18 = vector.load %arg3[%get3A_16, %get3A_17] : memref<512x1xf32, #tpu.memory_space<vmem>>, vector<512x1xf32>
    %get3A_19 = arith.constant 0 : index
    %get3A_20 = arith.constant 0 : index
    %get3A_21 = vector.load %arg4[%get3A_19, %get3A_20] : memref<512x1xf32, #tpu.memory_space<vmem>>, vector<512x1xf32>
    %get3A_22 = arith.constant 0 : index
    %get3A_23 = arith.constant 0 : index
    %get3A_24 = vector.load %arg5[%get3A_22, %get3A_23] : memref<512x1xf32, #tpu.memory_space<vmem>>, vector<512x1xf32>
    %get3A_25 = arith.constant 0 : index
    %get3A_26 = arith.constant 0 : index
    %get3A_27 = vector.load %arg6[%get3A_25, %get3A_26] : memref<512x1xf32, #tpu.memory_space<vmem>>, vector<512x1xf32>
    %get3A_28 = arith.constant 0 : index
    %get3A_29 = arith.constant 0 : index
    %get3A_30 = vector.load %arg7[%get3A_28, %get3A_29] : memref<1x512xf32, #tpu.memory_space<vmem>>, vector<1x512xf32>
    %get3A_31 = arith.constant 0 : index
    %get3A_32 = arith.constant 0 : index
    %get3A_33 = vector.load %arg8[%get3A_31, %get3A_32] : memref<1x512xf32, #tpu.memory_space<vmem>>, vector<1x512xf32>
    %get3A_34 = arith.constant 0 : index
    %get3A_35 = arith.constant 0 : index
    %get3A_36 = vector.load %arg9[%get3A_34, %get3A_35] : memref<1x512xf32, #tpu.memory_space<vmem>>, vector<1x512xf32>
    %get3A_37 = arith.constant 0 : index
    %get3A_38 = arith.constant 0 : index
    %get3A_39 = vector.load %arg10[%get3A_37, %get3A_38] : memref<1x512xf32, #tpu.memory_space<vmem>>, vector<1x512xf32>
    %mul3A_40 = arith.mulf %get3A_18, %get3A_18 : vector<512x1xf32>
    %mul3A_41 = arith.mulf %get3A_21, %get3A_21 : vector<512x1xf32>
    %add3A_42 = arith.addf %mul3A_40, %mul3A_41 : vector<512x1xf32>
    %mul3A_43 = arith.mulf %get3A_30, %get3A_30 : vector<1x512xf32>
    %mul3A_44 = arith.mulf %get3A_33, %get3A_33 : vector<1x512xf32>
    %add3A_45 = arith.addf %mul3A_43, %mul3A_44 : vector<1x512xf32>
    %add3A_46 = vector.broadcast %add3A_42 : vector<512x1xf32> to vector<512x512xf32>
    %add3A_47 = vector.broadcast %add3A_45 : vector<1x512xf32> to vector<512x512xf32>
    %add3A_48 = arith.addf %add3A_46, %add3A_47 : vector<512x512xf32>
    %mul3A_49 = vector.broadcast %get3A_18 : vector<512x1xf32> to vector<512x512xf32>
    %mul3A_50 = vector.broadcast %get3A_30 : vector<1x512xf32> to vector<512x512xf32>
    %mul3A_51 = arith.mulf %mul3A_49, %mul3A_50 : vector<512x512xf32>
    %mul3A_52 = vector.broadcast %get3A_21 : vector<512x1xf32> to vector<512x512xf32>
    %mul3A_53 = vector.broadcast %get3A_33 : vector<1x512xf32> to vector<512x512xf32>
    %mul3A_54 = arith.mulf %mul3A_52, %mul3A_53 : vector<512x512xf32>
    %add3A_55 = arith.addf %mul3A_51, %mul3A_54 : vector<512x512xf32>
    %mul3A_56 = arith.constant 2.000000e+00 : f32
    %mul3A_57 = vector.broadcast %mul3A_56 : f32 to vector<512x512xf32>
    %mul3A_58 = arith.mulf %mul3A_57, %add3A_55 : vector<512x512xf32>
    %sub3A = arith.subf %add3A_48, %mul3A_58 : vector<512x512xf32>
    %mul3A_59 = arith.mulf %get3A_24, %get3A_24 : vector<512x1xf32>
    %mul3A_60 = arith.mulf %get3A_27, %get3A_27 : vector<512x1xf32>
    %add3A_61 = arith.addf %mul3A_59, %mul3A_60 : vector<512x1xf32>
    %mul3A_62 = arith.mulf %get3A_36, %get3A_36 : vector<1x512xf32>
    %mul3A_63 = arith.mulf %get3A_39, %get3A_39 : vector<1x512xf32>
    %add3A_64 = arith.addf %mul3A_62, %mul3A_63 : vector<1x512xf32>
    %add3A_65 = vector.broadcast %add3A_61 : vector<512x1xf32> to vector<512x512xf32>
    %add3A_66 = vector.broadcast %add3A_64 : vector<1x512xf32> to vector<512x512xf32>
    %add3A_67 = arith.addf %add3A_65, %add3A_66 : vector<512x512xf32>
    %mul3A_68 = vector.broadcast %get3A_24 : vector<512x1xf32> to vector<512x512xf32>
    %mul3A_69 = vector.broadcast %get3A_36 : vector<1x512xf32> to vector<512x512xf32>
    %mul3A_70 = arith.mulf %mul3A_68, %mul3A_69 : vector<512x512xf32>
    %mul3A_71 = vector.broadcast %get3A_27 : vector<512x1xf32> to vector<512x512xf32>
    %mul3A_72 = vector.broadcast %get3A_39 : vector<1x512xf32> to vector<512x512xf32>
    %mul3A_73 = arith.mulf %mul3A_71, %mul3A_72 : vector<512x512xf32>
    %add3A_74 = arith.addf %mul3A_70, %mul3A_73 : vector<512x512xf32>
    %mul3A_75 = arith.constant 2.000000e+00 : f32
    %mul3A_76 = vector.broadcast %mul3A_75 : f32 to vector<512x512xf32>
    %mul3A_77 = arith.mulf %mul3A_76, %add3A_74 : vector<512x512xf32>
    %sub3A_78 = arith.subf %add3A_67, %mul3A_77 : vector<512x512xf32>
    %abs3A = math.absf %sub3A : vector<512x512xf32>
    %sqrt3A = math.sqrt %abs3A : vector<512x512xf32>
    %abs3A_79 = math.absf %sub3A_78 : vector<512x512xf32>
    %sqrt3A_80 = math.sqrt %abs3A_79 : vector<512x512xf32>
    %jit3A = arith.constant 0.000000e+00 : f32
    %broadcast_in_dim3A = vector.broadcast %jit3A : f32 to vector<512x512xf32>
    %select_n3A = arith.select %and3A_15, %sqrt3A, %broadcast_in_dim3A : vector<512x512xi1>, vector<512x512xf32>
    %reduce_sum3A = vector.shape_cast %select_n3A : vector<512x512xf32> to vector<1x512x512xf32>
    %reduce_sum3A_81 = arith.constant dense<0.000000e+00> : vector<1xf32>
    %reduce_sum3A_82 = vector.multi_reduction <add>, %reduce_sum3A, %reduce_sum3A_81 [1, 2] : vector<1x512x512xf32> to vector<1xf32>
    %reduce_sum3A_83 = vector.shape_cast %reduce_sum3A_82 : vector<1xf32> to vector<1x1x1xf32>
    %reduce_sum3A_84 = vector.extract %reduce_sum3A_83[0, 0, 0] : f32 from vector<1x1x1xf32>
    %jit3A_85 = arith.constant 0.000000e+00 : f32
    %broadcast_in_dim3A_86 = vector.broadcast %jit3A_85 : f32 to vector<512x512xf32>
    %select_n3A_87 = arith.select %and3A_15, %sqrt3A_80, %broadcast_in_dim3A_86 : vector<512x512xi1>, vector<512x512xf32>
    %reduce_sum3A_88 = vector.shape_cast %select_n3A_87 : vector<512x512xf32> to vector<1x512x512xf32>
    %reduce_sum3A_89 = arith.constant dense<0.000000e+00> : vector<1xf32>
    %reduce_sum3A_90 = vector.multi_reduction <add>, %reduce_sum3A_88, %reduce_sum3A_89 [1, 2] : vector<1x512x512xf32> to vector<1xf32>
    %reduce_sum3A_91 = vector.shape_cast %reduce_sum3A_90 : vector<1xf32> to vector<1x1x1xf32>
    %reduce_sum3A_92 = vector.extract %reduce_sum3A_91[0, 0, 0] : f32 from vector<1x1x1xf32>
    %eq3A = arith.constant 0 : i32
    %eq3A_93 = arith.cmpi eq, %arg0, %eq3A : i32
    %convert_element_type3A = arith.extui %eq3A_93 : i1 to i32
    %cond3A = arith.constant 0 : i32
    %cond3A_94 = arith.cmpi ne, %convert_element_type3A, %cond3A : i32
    scf.if %cond3A_94 {
      %swap3A_108 = arith.constant 0.000000e+00 : f32
      %swap3A_109 = arith.constant 0 : index
      %swap3A_110 = arith.constant 0 : index
      %swap3A_111 = memref.load %arg11[%swap3A_109, %swap3A_110] : memref<1x1xf32, #tpu.memory_space<smem>>
      memref.store %swap3A_108, %arg11[%swap3A_109, %swap3A_110] : memref<1x1xf32, #tpu.memory_space<smem>>
      %swap3A_112 = arith.constant 0.000000e+00 : f32
      %swap3A_113 = arith.constant 0 : index
      %swap3A_114 = arith.constant 0 : index
      %swap3A_115 = memref.load %arg12[%swap3A_113, %swap3A_114] : memref<1x1xf32, #tpu.memory_space<smem>>
      memref.store %swap3A_112, %arg12[%swap3A_113, %swap3A_114] : memref<1x1xf32, #tpu.memory_space<smem>>
    } else {
    }
    %get3A_95 = arith.constant 0 : index
    %get3A_96 = arith.constant 0 : index
    %get3A_97 = memref.load %arg11[%get3A_95, %get3A_96] : memref<1x1xf32, #tpu.memory_space<smem>>
    %add3A_98 = arith.addf %get3A_97, %reduce_sum3A_84 : f32
    %swap3A = arith.constant 0 : index
    %swap3A_99 = arith.constant 0 : index
    %swap3A_100 = memref.load %arg11[%swap3A, %swap3A_99] : memref<1x1xf32, #tpu.memory_space<smem>>
    memref.store %add3A_98, %arg11[%swap3A, %swap3A_99] : memref<1x1xf32, #tpu.memory_space<smem>>
    %get3A_101 = arith.constant 0 : index
    %get3A_102 = arith.constant 0 : index
    %get3A_103 = memref.load %arg12[%get3A_101, %get3A_102] : memref<1x1xf32, #tpu.memory_space<smem>>
    %add3A_104 = arith.addf %get3A_103, %reduce_sum3A_92 : f32
    %swap3A_105 = arith.constant 0 : index
    %swap3A_106 = arith.constant 0 : index
    %swap3A_107 = memref.load %arg12[%swap3A_105, %swap3A_106] : memref<1x1xf32, #tpu.memory_space<smem>>
    memref.store %add3A_104, %arg12[%swap3A_105, %swap3A_106] : memref<1x1xf32, #tpu.memory_space<smem>>
    return
  }
  func.func @transform_0(%arg0: i32, %arg1: memref<55xi32, #tpu.memory_space<smem>>, %arg2: memref<55xi32, #tpu.memory_space<smem>>) -> (i32, i32) {
    %get3A = arith.index_cast %arg0 : i32 to index
    %get3A_0 = memref.load %arg1[%get3A] : memref<55xi32, #tpu.memory_space<smem>>
    %c0_i32 = arith.constant 0 : i32
    %c0_i32_1 = arith.constant 0 : i32
    return %get3A_0, %c0_i32 : i32, i32
  }
  func.func @transform_1(%arg0: i32, %arg1: memref<55xi32, #tpu.memory_space<smem>>, %arg2: memref<55xi32, #tpu.memory_space<smem>>) -> (i32, i32) {
    %get3A = arith.index_cast %arg0 : i32 to index
    %get3A_0 = memref.load %arg1[%get3A] : memref<55xi32, #tpu.memory_space<smem>>
    %c0_i32 = arith.constant 0 : i32
    %c0_i32_1 = arith.constant 0 : i32
    return %get3A_0, %c0_i32 : i32, i32
  }
  func.func @transform_2(%arg0: i32, %arg1: memref<55xi32, #tpu.memory_space<smem>>, %arg2: memref<55xi32, #tpu.memory_space<smem>>) -> (i32, i32) {
    %get3A = arith.index_cast %arg0 : i32 to index
    %get3A_0 = memref.load %arg1[%get3A] : memref<55xi32, #tpu.memory_space<smem>>
    %c0_i32 = arith.constant 0 : i32
    %c0_i32_1 = arith.constant 0 : i32
    return %get3A_0, %c0_i32 : i32, i32
  }
  func.func @transform_3(%arg0: i32, %arg1: memref<55xi32, #tpu.memory_space<smem>>, %arg2: memref<55xi32, #tpu.memory_space<smem>>) -> (i32, i32) {
    %get3A = arith.index_cast %arg0 : i32 to index
    %get3A_0 = memref.load %arg1[%get3A] : memref<55xi32, #tpu.memory_space<smem>>
    %c0_i32 = arith.constant 0 : i32
    %c0_i32_1 = arith.constant 0 : i32
    return %get3A_0, %c0_i32 : i32, i32
  }
  func.func @transform_4(%arg0: i32, %arg1: memref<55xi32, #tpu.memory_space<smem>>, %arg2: memref<55xi32, #tpu.memory_space<smem>>) -> (i32, i32) {
    %get3A = arith.index_cast %arg0 : i32 to index
    %get3A_0 = memref.load %arg2[%get3A] : memref<55xi32, #tpu.memory_space<smem>>
    %c0_i32 = arith.constant 0 : i32
    %c0_i32_1 = arith.constant 0 : i32
    return %c0_i32, %get3A_0 : i32, i32
  }
  func.func @transform_5(%arg0: i32, %arg1: memref<55xi32, #tpu.memory_space<smem>>, %arg2: memref<55xi32, #tpu.memory_space<smem>>) -> (i32, i32) {
    %get3A = arith.index_cast %arg0 : i32 to index
    %get3A_0 = memref.load %arg2[%get3A] : memref<55xi32, #tpu.memory_space<smem>>
    %c0_i32 = arith.constant 0 : i32
    %c0_i32_1 = arith.constant 0 : i32
    return %c0_i32, %get3A_0 : i32, i32
  }
  func.func @transform_6(%arg0: i32, %arg1: memref<55xi32, #tpu.memory_space<smem>>, %arg2: memref<55xi32, #tpu.memory_space<smem>>) -> (i32, i32) {
    %get3A = arith.index_cast %arg0 : i32 to index
    %get3A_0 = memref.load %arg2[%get3A] : memref<55xi32, #tpu.memory_space<smem>>
    %c0_i32 = arith.constant 0 : i32
    %c0_i32_1 = arith.constant 0 : i32
    return %c0_i32, %get3A_0 : i32, i32
  }
  func.func @transform_7(%arg0: i32, %arg1: memref<55xi32, #tpu.memory_space<smem>>, %arg2: memref<55xi32, #tpu.memory_space<smem>>) -> (i32, i32) {
    %get3A = arith.index_cast %arg0 : i32 to index
    %get3A_0 = memref.load %arg2[%get3A] : memref<55xi32, #tpu.memory_space<smem>>
    %c0_i32 = arith.constant 0 : i32
    %c0_i32_1 = arith.constant 0 : i32
    return %c0_i32, %get3A_0 : i32, i32
  }
  func.func @transform_8(%arg0: i32, %arg1: memref<55xi32, #tpu.memory_space<smem>>, %arg2: memref<55xi32, #tpu.memory_space<smem>>) -> (i32, i32) {
    %c0_i32 = arith.constant 0 : i32
    %c0_i32_0 = arith.constant 0 : i32
    %c0_i32_1 = arith.constant 0 : i32
    return %c0_i32, %c0_i32_0 : i32, i32
  }
  func.func @transform_9(%arg0: i32, %arg1: memref<55xi32, #tpu.memory_space<smem>>, %arg2: memref<55xi32, #tpu.memory_space<smem>>) -> (i32, i32) {
    %c0_i32 = arith.constant 0 : i32
    %c0_i32_0 = arith.constant 0 : i32
    %c0_i32_1 = arith.constant 0 : i32
    return %c0_i32, %c0_i32_0 : i32, i32
  }
}

module attributes {stable_mosaic.version = 14 : i64} {
  func.func @_rank_body(%arg0: i32, %arg1: memref<1024x1xf32, #tpu.memory_space<vmem>>, %arg2: memref<10x1x512xf32, #tpu.memory_space<vmem>>, %arg3: memref<10x1x512xi32, #tpu.memory_space<vmem>>, %arg4: memref<1x1xi32, #tpu.memory_space<smem>>, %arg5: memref<1024x1xi32, #tpu.memory_space<vmem>>) attributes {dimension_semantics = [#tpu.dimension_semantics<arbitrary>], iteration_bounds = array<i64: 5>, scalar_prefetch = 0 : i64, scratch_operands = 0 : i64, tpu.core_type = #tpu.core_type<tc>, window_params = [{transform_indices = @transform_0, window_bounds = array<i64: 1024, 1>}, {pipeline_mode = #tpu.pipeline_mode<synchronous>, transform_indices = @transform_1, window_bounds = array<i64: 10, 1, 512>}, {pipeline_mode = #tpu.pipeline_mode<synchronous>, transform_indices = @transform_2, window_bounds = array<i64: 10, 1, 512>}, {transform_indices = @transform_3, window_bounds = array<i64: 1, 1>}, {transform_indices = @transform_4, window_bounds = array<i64: 1024, 1>}]} {
    %mul3A = arith.constant 1024 : i32
    %mul3A_0 = arith.muli %arg0, %mul3A : i32
    %iota3A = tpu.iota {dimensions = array<i32: 0>} : vector<1024x1xi32>
    %add3A = vector.broadcast %mul3A_0 : i32 to vector<1024x1xi32>
    %add3A_1 = arith.addi %add3A, %iota3A : vector<1024x1xi32>
    %get3A = arith.constant 0 : index
    %get3A_2 = arith.constant 0 : index
    %get3A_3 = vector.load %arg1[%get3A, %get3A_2] : memref<1024x1xf32, #tpu.memory_space<vmem>>, vector<1024x1xf32>
    %broadcast_in_dim3A = arith.constant 0 : i32
    %broadcast_in_dim3A_4 = vector.broadcast %broadcast_in_dim3A : i32 to vector<1024x1xi32>
    %get3A_5 = arith.constant 0 : index
    %get3A_6 = arith.constant 0 : index
    %get3A_7 = memref.load %arg4[%get3A_5, %get3A_6] : memref<1x1xi32, #tpu.memory_space<smem>>
    %while3A = arith.constant 0 : i32
    %while3A_8 = arith.constant 0 : i32
    %while3A_9 = arith.subi %get3A_7, %while3A : i32
    %while3A_10 = arith.addi %while3A, %while3A_9 : i32
    %while3A_11 = arith.constant 1 : i32
    %while3A_12 = arith.divsi %while3A_9, %while3A_11 : i32
    %while3A_13 = arith.muli %while3A_12, %while3A_11 : i32
    %while3A_14 = arith.addi %while3A, %while3A_13 : i32
    %while3A_15 = arith.constant 1 : i32
    %while3A_16:3 = scf.for %while3A_25 = %while3A to %while3A_14 step %while3A_15 iter_args(%while3A_26 = %broadcast_in_dim3A_4, %while3A_27 = %broadcast_in_dim3A_4, %while3A_28 = %while3A_8) -> (vector<1024x1xi32>, vector<1024x1xi32>, i32)  : i32 {
      %get3A_29 = arith.index_cast %while3A_25 : i32 to index
      %get3A_30 = arith.constant 0 : index
      %get3A_31 = arith.constant 0 : index
      %get3A_32 = vector.load %arg2[%get3A_29, %get3A_30, %get3A_31] : memref<10x1x512xf32, #tpu.memory_space<vmem>>, vector<1x1x512xf32>
      %get3A_33 = vector.shape_cast %get3A_32 : vector<1x1x512xf32> to vector<1x512xf32>
      %get3A_34 = arith.index_cast %while3A_25 : i32 to index
      %get3A_35 = arith.constant 0 : index
      %get3A_36 = arith.constant 0 : index
      %get3A_37 = vector.load %arg3[%get3A_34, %get3A_35, %get3A_36] : memref<10x1x512xi32, #tpu.memory_space<vmem>>, vector<1x1x512xi32>
      %get3A_38 = vector.shape_cast %get3A_37 : vector<1x1x512xi32> to vector<1x512xi32>
      %gt3A_39 = arith.constant -1.000000e+00 : f32
      %gt3A_40 = vector.broadcast %gt3A_39 : f32 to vector<1x512xf32>
      %gt3A_41 = arith.cmpf ogt, %get3A_33, %gt3A_40 : vector<1x512xf32>
      %lt3A = vector.broadcast %get3A_38 : vector<1x512xi32> to vector<1024x512xi32>
      %lt3A_42 = vector.broadcast %add3A_1 : vector<1024x1xi32> to vector<1024x512xi32>
      %lt3A_43 = arith.cmpi slt, %lt3A, %lt3A_42 : vector<1024x512xi32>
      %gt3A_44 = vector.broadcast %get3A_33 : vector<1x512xf32> to vector<1024x512xf32>
      %gt3A_45 = vector.broadcast %get3A_3 : vector<1024x1xf32> to vector<1024x512xf32>
      %gt3A_46 = arith.cmpf ogt, %gt3A_44, %gt3A_45 : vector<1024x512xf32>
      %eq3A = vector.broadcast %get3A_33 : vector<1x512xf32> to vector<1024x512xf32>
      %eq3A_47 = vector.broadcast %get3A_3 : vector<1024x1xf32> to vector<1024x512xf32>
      %eq3A_48 = arith.cmpf oeq, %eq3A, %eq3A_47 : vector<1024x512xf32>
      %and3A = arith.andi %eq3A_48, %lt3A_43 : vector<1024x512xi1>
      %or3A = arith.ori %gt3A_46, %and3A : vector<1024x512xi1>
      %convert_element_type3A = arith.extui %or3A : vector<1024x512xi1> to vector<1024x512xi32>
      %reduce_sum3A = arith.constant dense<0> : vector<1024xi32>
      %reduce_sum3A_49 = vector.multi_reduction <add>, %convert_element_type3A, %reduce_sum3A [1] : vector<1024x512xi32> to vector<1024xi32>
      %broadcast_in_dim3A_50 = vector.shape_cast %reduce_sum3A_49 : vector<1024xi32> to vector<1024x1xi32>
      %add3A_51 = arith.addi %while3A_26, %broadcast_in_dim3A_50 : vector<1024x1xi32>
      %and3A_52 = vector.broadcast %gt3A_41 : vector<1x512xi1> to vector<1024x512xi1>
      %and3A_53 = arith.andi %and3A_52, %lt3A_43 : vector<1024x512xi1>
      %convert_element_type3A_54 = arith.extui %and3A_53 : vector<1024x512xi1> to vector<1024x512xi32>
      %reduce_sum3A_55 = arith.constant dense<0> : vector<1024xi32>
      %reduce_sum3A_56 = vector.multi_reduction <add>, %convert_element_type3A_54, %reduce_sum3A_55 [1] : vector<1024x512xi32> to vector<1024xi32>
      %broadcast_in_dim3A_57 = vector.shape_cast %reduce_sum3A_56 : vector<1024xi32> to vector<1024x1xi32>
      %add3A_58 = arith.addi %while3A_27, %broadcast_in_dim3A_57 : vector<1024x1xi32>
      %convert_element_type3A_59 = arith.extui %gt3A_41 : vector<1x512xi1> to vector<1x512xi32>
      %reduce_sum3A_60 = vector.shape_cast %convert_element_type3A_59 : vector<1x512xi32> to vector<1x1x512xi32>
      %reduce_sum3A_61 = arith.constant dense<0> : vector<1xi32>
      %reduce_sum3A_62 = vector.multi_reduction <add>, %reduce_sum3A_60, %reduce_sum3A_61 [1, 2] : vector<1x1x512xi32> to vector<1xi32>
      %reduce_sum3A_63 = vector.shape_cast %reduce_sum3A_62 : vector<1xi32> to vector<1x1x1xi32>
      %reduce_sum3A_64 = vector.extract %reduce_sum3A_63[0, 0, 0] : i32 from vector<1x1x1xi32>
      %add3A_65 = arith.addi %while3A_28, %reduce_sum3A_64 : i32
      scf.yield %add3A_51, %add3A_58, %add3A_65 : vector<1024x1xi32>, vector<1024x1xi32>, i32
    }
    %while3A_17 = arith.constant 1 : i32
    %while3A_18:3 = scf.for %while3A_25 = %while3A_14 to %while3A_10 step %while3A_17 iter_args(%while3A_26 = %while3A_16#0, %while3A_27 = %while3A_16#1, %while3A_28 = %while3A_16#2) -> (vector<1024x1xi32>, vector<1024x1xi32>, i32)  : i32 {
      %get3A_29 = arith.index_cast %while3A_25 : i32 to index
      %get3A_30 = arith.constant 0 : index
      %get3A_31 = arith.constant 0 : index
      %get3A_32 = vector.load %arg2[%get3A_29, %get3A_30, %get3A_31] : memref<10x1x512xf32, #tpu.memory_space<vmem>>, vector<1x1x512xf32>
      %get3A_33 = vector.shape_cast %get3A_32 : vector<1x1x512xf32> to vector<1x512xf32>
      %get3A_34 = arith.index_cast %while3A_25 : i32 to index
      %get3A_35 = arith.constant 0 : index
      %get3A_36 = arith.constant 0 : index
      %get3A_37 = vector.load %arg3[%get3A_34, %get3A_35, %get3A_36] : memref<10x1x512xi32, #tpu.memory_space<vmem>>, vector<1x1x512xi32>
      %get3A_38 = vector.shape_cast %get3A_37 : vector<1x1x512xi32> to vector<1x512xi32>
      %gt3A_39 = arith.constant -1.000000e+00 : f32
      %gt3A_40 = vector.broadcast %gt3A_39 : f32 to vector<1x512xf32>
      %gt3A_41 = arith.cmpf ogt, %get3A_33, %gt3A_40 : vector<1x512xf32>
      %lt3A = vector.broadcast %get3A_38 : vector<1x512xi32> to vector<1024x512xi32>
      %lt3A_42 = vector.broadcast %add3A_1 : vector<1024x1xi32> to vector<1024x512xi32>
      %lt3A_43 = arith.cmpi slt, %lt3A, %lt3A_42 : vector<1024x512xi32>
      %gt3A_44 = vector.broadcast %get3A_33 : vector<1x512xf32> to vector<1024x512xf32>
      %gt3A_45 = vector.broadcast %get3A_3 : vector<1024x1xf32> to vector<1024x512xf32>
      %gt3A_46 = arith.cmpf ogt, %gt3A_44, %gt3A_45 : vector<1024x512xf32>
      %eq3A = vector.broadcast %get3A_33 : vector<1x512xf32> to vector<1024x512xf32>
      %eq3A_47 = vector.broadcast %get3A_3 : vector<1024x1xf32> to vector<1024x512xf32>
      %eq3A_48 = arith.cmpf oeq, %eq3A, %eq3A_47 : vector<1024x512xf32>
      %and3A = arith.andi %eq3A_48, %lt3A_43 : vector<1024x512xi1>
      %or3A = arith.ori %gt3A_46, %and3A : vector<1024x512xi1>
      %convert_element_type3A = arith.extui %or3A : vector<1024x512xi1> to vector<1024x512xi32>
      %reduce_sum3A = arith.constant dense<0> : vector<1024xi32>
      %reduce_sum3A_49 = vector.multi_reduction <add>, %convert_element_type3A, %reduce_sum3A [1] : vector<1024x512xi32> to vector<1024xi32>
      %broadcast_in_dim3A_50 = vector.shape_cast %reduce_sum3A_49 : vector<1024xi32> to vector<1024x1xi32>
      %add3A_51 = arith.addi %while3A_26, %broadcast_in_dim3A_50 : vector<1024x1xi32>
      %and3A_52 = vector.broadcast %gt3A_41 : vector<1x512xi1> to vector<1024x512xi1>
      %and3A_53 = arith.andi %and3A_52, %lt3A_43 : vector<1024x512xi1>
      %convert_element_type3A_54 = arith.extui %and3A_53 : vector<1024x512xi1> to vector<1024x512xi32>
      %reduce_sum3A_55 = arith.constant dense<0> : vector<1024xi32>
      %reduce_sum3A_56 = vector.multi_reduction <add>, %convert_element_type3A_54, %reduce_sum3A_55 [1] : vector<1024x512xi32> to vector<1024xi32>
      %broadcast_in_dim3A_57 = vector.shape_cast %reduce_sum3A_56 : vector<1024xi32> to vector<1024x1xi32>
      %add3A_58 = arith.addi %while3A_27, %broadcast_in_dim3A_57 : vector<1024x1xi32>
      %convert_element_type3A_59 = arith.extui %gt3A_41 : vector<1x512xi1> to vector<1x512xi32>
      %reduce_sum3A_60 = vector.shape_cast %convert_element_type3A_59 : vector<1x512xi32> to vector<1x1x512xi32>
      %reduce_sum3A_61 = arith.constant dense<0> : vector<1xi32>
      %reduce_sum3A_62 = vector.multi_reduction <add>, %reduce_sum3A_60, %reduce_sum3A_61 [1, 2] : vector<1x1x512xi32> to vector<1xi32>
      %reduce_sum3A_63 = vector.shape_cast %reduce_sum3A_62 : vector<1xi32> to vector<1x1x1xi32>
      %reduce_sum3A_64 = vector.extract %reduce_sum3A_63[0, 0, 0] : i32 from vector<1x1x1xi32>
      %add3A_65 = arith.addi %while3A_28, %reduce_sum3A_64 : i32
      scf.yield %add3A_51, %add3A_58, %add3A_65 : vector<1024x1xi32>, vector<1024x1xi32>, i32
    }
    %gt3A = arith.constant -1.000000e+00 : f32
    %gt3A_19 = vector.broadcast %gt3A : f32 to vector<1024x1xf32>
    %gt3A_20 = arith.cmpf ogt, %get3A_3, %gt3A_19 : vector<1024x1xf32>
    %add3A_21 = vector.broadcast %while3A_18#2 : i32 to vector<1024x1xi32>
    %add3A_22 = arith.addi %add3A_21, %add3A_1 : vector<1024x1xi32>
    %sub3A = arith.subi %add3A_22, %while3A_18#1 : vector<1024x1xi32>
    %select_n3A = arith.select %gt3A_20, %while3A_18#0, %sub3A : vector<1024x1xi1>, vector<1024x1xi32>
    %swap3A = arith.constant 0 : index
    %swap3A_23 = arith.constant 0 : index
    %swap3A_24 = vector.load %arg5[%swap3A, %swap3A_23] : memref<1024x1xi32, #tpu.memory_space<vmem>>, vector<1024x1xi32>
    tpu.vector_store %arg5[%swap3A, %swap3A_23], %select_n3A {strides = array<i32>} : memref<1024x1xi32, #tpu.memory_space<vmem>>, vector<1024x1xi32>,
    return
  }
  func.func @transform_0(%arg0: i32) -> (i32, i32) {
    %c0_i32 = arith.constant 0 : i32
    %c0_i32_0 = arith.constant 0 : i32
    return %arg0, %c0_i32 : i32, i32
  }
  func.func @transform_1(%arg0: i32) -> (i32, i32, i32) {
    %c0_i32 = arith.constant 0 : i32
    %c0_i32_0 = arith.constant 0 : i32
    %c0_i32_1 = arith.constant 0 : i32
    %c0_i32_2 = arith.constant 0 : i32
    return %c0_i32, %c0_i32_0, %c0_i32_1 : i32, i32, i32
  }
  func.func @transform_2(%arg0: i32) -> (i32, i32, i32) {
    %c0_i32 = arith.constant 0 : i32
    %c0_i32_0 = arith.constant 0 : i32
    %c0_i32_1 = arith.constant 0 : i32
    %c0_i32_2 = arith.constant 0 : i32
    return %c0_i32, %c0_i32_0, %c0_i32_1 : i32, i32, i32
  }
  func.func @transform_3(%arg0: i32) -> (i32, i32) {
    %c0_i32 = arith.constant 0 : i32
    %c0_i32_0 = arith.constant 0 : i32
    %c0_i32_1 = arith.constant 0 : i32
    return %c0_i32, %c0_i32_0 : i32, i32
  }
  func.func @transform_4(%arg0: i32) -> (i32, i32) {
    %c0_i32 = arith.constant 0 : i32
    %c0_i32_0 = arith.constant 0 : i32
    return %arg0, %c0_i32 : i32, i32
  }
}

</mosaic_0001>

<sc_bundles>
// kernel: kernel.12.cloned.1.call-start
scs
__scs_entry_jumppad:
0x0: {  	(pc) =	sbr.rel $0x88, $3  }
0x1: {  	(tag) =	ssettag $0x0;
	lr =	simm.s32 $0x1  }
0x2: {  	[smem:$0x3F9C] =	sst lr;
	_ =	strace $0xD0000000  }
0x3: {  	_ = 	snop  }
0x4: {  	_ = 	snop  }
0x5: {  	_ = 	snop  }
0x6: {  	_ = 	snop  }
0x7: {  	_ = 	snop  }
__scs_overlays_trampoline_lowered:
0x8: {  	[smem:$0x3FAB] =	sst s0  }
0x9: {  	[smem:$0x3FAC] =	sst s1  }
0xa: {  	[smem:$0x3FAD] =	sst s2  }
0xb: {  	[smem:$0x3FAE] =	sst s3  }
0xc: {  	[smem:$0x3FAF] =	sst s4  }
0xd: {  	[smem:$0x3FB0] =	sst s5  }
0xe: {  	[smem:$0x3FB1] =	sst s6  }
0xf: {  	[smem:$0x3FB2] =	sst s7  }
0x10: {  	[smem:$0x3FB3] =	sst s8  }
0x11: {  	[smem:$0x3FB4] =	sst s9;
	s0 =	simm.s32 @!p0 $0x0  }
0x12: {  	s1 =	sld [smem:$0x3F9A];
	s0 =	simm.s32 @p0 $0x1  }
0x13: {  	[smem:$0x3FB5] =	sst s0;
	s0 =	simm.s32 @!p1 $0x0  }
0x14: {  	s2 =	sld [smem:$0x3F99];
	s0 =	simm.s32 @p1 $0x1  }
0x15: {  	[smem:$0x3FB6] =	sst s0;
	s0 =	simm.s32 @!p2 $0x0  }
0x16: {  	s3 =	sld [smem:$0x3FDB];
	s0 =	simm.s32 @p2 $0x1  }
0x17: {  	s4 =	simm.s32 $0x1BF5;
	[smem:$0x3FB8] =	sst s0  }
0x18: {  	s0 =	sld [smem:$0x3F9B];
	_ =	swait.ge [sflag:s4], $0x0  }
0x19: {  	s7 =	sld [smem:$0x3F9C]  }
0x1a: {  	s8 =	sadd.s32 $0xFFFFE003, lr  }
0x1b: {  	s9 =	sadd.s32 $0xFFFFFEF7, lr;
	s5 =	simm.s32 $0xFFFFFFFF;
	p2 =	slt.u32 s8, $0xFFFFF086  }
0x1c: {  	p1 =	slt.u32 s9, $0xF7A;
	s5 =	simm.s32 @!p2 $0x0  }
0x1d: {  	s5 =	simm.s32 @p1 $0x1;
	p0 =	seq.s32 s7, s2  }
0x1e: {  	s7 =	smul.u32 @!p0 $0xF7A, s2;
	p2 =	seq.s32 @!p0 s5, $0x0  }
0x1f: {  	s9 =	smul.u32 $0xF7A, s1;
	s8 =	simm.s32 @!p0 $0x1BF5;
	p2 =	por !p2, p0  }
0x20: {  	[sflag:s8] =	ssyncset.s32 @!p0 $0xFFFFF086;
	s6 =	sadd.s32 @!p0 s3, s7;
	s7 =	simm.s32 @!p0 $0x108  }
0x21: {  	s3 =	sadd.s32 s3, s9;
	s6 =	sadd.s32 @!p0 $0x88, s6;
	s7 =	simm.s32 @p2 $0x1082  }
0x22: {  	[simem:s7], [sflag:s8] =	dma.local @!p0 [hbm:s6], $0xF7A  }
0x23: {  	s9 =	sor.u32 $0xD0000000, s2;
	s6 =	simm.s32 $0x108;
	_ =	swait.ge @!p0 [sflag:s8], $0x0  }
0x24: {  	s3 =	sadd.s32 $0x88, s3;
	s6 =	simm.s32 @!p1 $0x1082;
	[sflag:s4] =	ssyncset.s32 $0xFFFFF086  }
0x25: {  	[simem:s6], [sflag:s4] =	dma.local [hbm:s3], $0xF7A  }
0x26: {  	[smem:$0x3F9C] =	sst s1;
	(tag) =	ssettag s2;
	_ =	strace s9  }
0x27: {  	s1 =	sld [smem:$0x3FAC]  }
0x28: {  	s2 =	sld [smem:$0x3FAD]  }
0x29: {  	s4 =	sld [smem:$0x3FAF]  }
0x2a: {  	p0 =	seq.s32 s5, $0x0;
	s5 =	sld [smem:$0x3FB0]  }
0x2b: {  	s6 =	sld [smem:$0x3FB1]  }
0x2c: {  	s7 =	sld [smem:$0x3FB2]  }
0x2d: {  	s3 =	simm.s32 $0x108;
	s8 =	sld [smem:$0x3FB3]  }
0x2e: {  	s3 =	simm.s32 @!p0 $0x1082;
	s9 =	sld [smem:$0x3FB4]  }
0x2f: {  	lr =	sadd.s32 s0, s3;
	s0 =	sld [smem:$0x3FAB]  }
0x30: {  	s3 =	sld [smem:$0x3FAE]  }
0x31: {  	[smem:$0x3FB7] =	sst s10  }
0x32: {  	s10 =	sld [smem:$0x3FB5];
	_ =	sdelay $0x3  }
0x33: {  	p0 =	seq.s32 s10, $0x1;
	s10 =	sld [smem:$0x3FB7];
	_ =	sdelay $0x3  }
0x34: {  	[smem:$0x3FB7] =	sst s10  }
0x35: {  	s10 =	sld [smem:$0x3FB6];
	_ =	sdelay $0x3  }
0x36: {  	p1 =	seq.s32 s10, $0x1;
	s10 =	sld [smem:$0x3FB7];
	_ =	sdelay $0x3  }
0x37: {  	[smem:$0x3FB7] =	sst s10  }
0x38: {  	s10 =	sld [smem:$0x3FB8]  }
0x39: {  	_ = 	snop;
	(pc) =	sbr.ind lr, $3  }
0x3a: {  	_ = 	snop  }
0x3b: {  	_ = 	snop  }
0x3c: {  	p2 =	seq.s32 s10, $0x1;
	s10 =	sld [smem:$0x3FB7]  }
0x3d: {  	_ =	shalt  }
0x3e: {  	_ =	shalt  }
0x3f: {  	_ =	shalt  }
0x40: {  	_ =	shalt  }
0x41: {  	_ =	shalt  }
0x42: {  	_ =	shalt  }
0x43: {  	_ =	shalt  }
0x44: {  	_ =	shalt  }
0x45: {  	_ =	shalt  }
0x46: {  	_ =	shalt  }
0x47: {  	_ =	shalt  }
0x48: {  	_ =	shalt  }
0x49: {  	_ =	shalt  }
0x4a: {  	_ =	shalt  }
0x4b: {  	_ =	shalt  }
0x4c: {  	_ =	shalt  }
0x4d: {  	_ =	shalt  }
0x4e: {  	_ =	shalt  }
0x4f: {  	_ =	shalt  }
0x50: {  	_ =	shalt  }
0x51: {  	_ =	shalt  }
0x52: {  	_ =	shalt  }
0x53: {  	_ =	shalt  }
0x54: {  	_ =	shalt  }
0x55: {  	_ =	shalt  }
0x56: {  	_ =	shalt  }
0x57: {  	_ =	shalt  }
0x58: {  	_ =	shalt  }
0x59: {  	_ =	shalt  }
0x5a: {  	_ =	shalt  }
0x5b: {  	_ =	shalt  }
0x5c: {  	_ =	shalt  }
0x5d: {  	_ =	shalt  }
0x5e: {  	_ =	shalt  }
0x5f: {  	_ =	shalt  }
0x60: {  	_ =	shalt  }
0x61: {  	_ =	shalt  }
0x62: {  	_ =	shalt  }
0x63: {  	_ =	shalt  }
0x64: {  	_ =	shalt  }
0x65: {  	_ =	shalt  }
0x66: {  	_ =	shalt  }
0x67: {  	_ =	shalt  }
0x68: {  	_ =	shalt  }
0x69: {  	_ =	shalt  }
0x6a: {  	_ =	shalt  }
0x6b: {  	_ =	shalt  }
0x6c: {  	_ =	shalt  }
0x6d: {  	_ =	shalt  }
0x6e: {  	_ =	shalt  }
0x6f: {  	_ =	shalt  }
0x70: {  	_ =	shalt  }
0x71: {  	_ =	shalt  }
0x72: {  	_ =	shalt  }
0x73: {  	_ =	shalt  }
0x74: {  	_ =	shalt  }
0x75: {  	_ =	shalt  }
0x76: {  	_ =	shalt  }
0x77: {  	_ =	shalt  }
0x78: {  	_ =	shalt  }
0x79: {  	_ =	shalt  }
0x7a: {  	_ =	shalt  }
0x7b: {  	_ =	shalt  }
0x7c: {  	_ =	shalt  }
0x7d: {  	_ =	shalt  }
0x7e: {  	_ =	shalt  }
0x7f: {  	_ =	shalt  }
0x80: {  	_ =	shalt  }
0x81: {  	_ =	shalt  }
0x82: {  	_ =	shalt  }
0x83: {  	_ =	shalt  }
0x84: {  	_ =	shalt  }
0x85: {  	_ =	shalt  }
0x86: {  	_ =	shalt  }
0x87: {  	_ =	shalt  }
.Lfunc_end0:
.L_simem_size_0:
called_computation.1_lowered:
.L_overlay_start_0:
0x88: {  	s2 =	sld [smem:$0x3FD9]  }
0x89: {  	s3 =	sld [smem:$0x3FFE];
	_ =	sdelay $0x1  }
0x8a: {  	s1 =	srdreg.scid  }
0x8b: {  	s0 =	sand.u32 $0x1, s1  }
0x8c: {  	s14 =	sshll.u32 s0, $0xA;
	s2 =	sadd.s32 s3, s2  }
0x8d: {  	s2 =	sadd.s32 s2, s14  }
0x8e: {  	[smem:$0x3FC3] =	sst s2  }
0x8f: {  	_ = 	snop  }
0x90: {  	s2 =	sld [smem:$0x3FD0];
	_ =	sdelay $0x2  }
0x91: {  	s15 =	simm.s32 $0xA;
	s4 =	simm.s32 $0x10  }
0x92: {  	[smem:s4], [sflag:s15] =	dma.local [hbm:s2], $0x1  }
0x93: {  	_ =	swait.eq [sflag:s15], $0x1  }
0x94: {  	[sflag:s15] =	ssyncset.done $0x0  }
0x95: {  	[sflag:s15] =	ssyncadd.s32 $0xFFFFFFFF  }
0x96: {  	s16 =	sld [smem:$0x12];
	(tm) =	ssettm $0x1  }
0x97: {  	s17 =	sld [smem:$0x3FFB];
	_ =	sdelay $0x3  }
0x98: {  	_ =	strace s17  }
0x99: {  	s3 =	sld [smem:$0x3FFC];
	_ =	sdelay $0x3  }
0x9a: {  	_ =	strace s3  }
0x9b: {  	s3 =	sld [smem:$0x3FFD];
	_ =	sdelay $0x3  }
0x9c: {  	_ =	strace s3  }
0x9d: {  	_ =	strace $0x8FFFFFFF  }
0x9e: {  	s18 =	sld [smem:$0x3FDB];
	_ =	sdelay $0x1  }
0x9f: {  	s19 =	simm.s32 $_scs_section_size  }
0xa0: {  	s5 =	simm.s32 $_size__tile_overlayer_lowered;
	s6 =	simm.s32 $_tile_overlayer_lowered  }
0xa1: {  	s22 =	simm.s32 $0x1BFF;
	s21 =	sshll.u32 s6, $0x1;
	s3 =	sadd.s32 s19, s18  }
0xa2: {  	s7 =	simm.s32 $0x0;
	s20 =	sshll.u32 s5, $0x1;
	s5 =	sadd.s32 s21, s3  }
0xa3: {  	[timem:s7], [sflag:s22] =	dma.local [hbm:s5], s20  }
0xa4: {  	_ =	swait.ge [sflag:s22], s20  }
0xa5: {  	s4 =	ssub.s32 $0x0, s20;
	[sflag:s22] =	ssyncset.done $0x0  }
0xa6: {  	[sflag:s22] =	ssyncadd.s32 s4;
	_ =	sdelay $0x1  }
0xa7: {  	s23 =	simm.s32 $0x1B8B  }
0xa8: {  	_ =	swait.ge [sflag:s23], $0x1  }
0xa9: {  	[sflag:s23] =	ssyncset.done $0x0  }
0xaa: {  	s25 =	simm.s32 $0x1B8E;
	s24 =	sld [smem:$0x3FFE];
	[sflag:s23] =	ssyncadd.s32 $0xFFFFFFFF  }
0xab: {  	s26 =	simm.s32 $execute0_lowered;
	[smem:$0x3FD2] =	sst s25  }
0xac: {  	s5 =	sshll.u32 s26, $0x1;
	_ =	strace $0x80000049;
	[dreg:$0x1] =	wrdreg $0xFFFFFFFF  }
0xad: {  	s28 =	simm.s32 $_size_execute0_lowered;
	s3 =	sadd.s32 s3, s5;
	[dreg:$0x0] =	wrdreg $0x0  }
0xae: {  	s5 =	sshll.u32 s28, $0x1;
	[dreg:$0x2] =	wrdreg s3  }
0xaf: {  	[dreg:$0x3] =	wrdreg s5  }
0xb0: {  	[dreg:$0x4] =	wrdreg $0xC0  }
0xb1: {  	_ =	task [dreg:s7], $0x5FFFF  }
0xb2: {  	[dreg:$0x1] =	wrdreg $0xFFFFFFFF  }
0xb3: {  	[dreg:$0x0] =	wrdreg $0x60  }
0xb4: {  	[dreg:$0x2] =	wrdreg s24  }
0xb5: {  	[dreg:$0x3] =	wrdreg s16  }
0xb6: {  	[dreg:$0x4] =	wrdreg $0x9  }
0xb7: {  	_ =	task.clear_ibuf [dreg:s7], $0x5FFFF;
	_ =	strace $0x90000049  }
0xb8: {  	s29 =	simm.s32 $0x9;
	_ =	strace $0x8000004B  }
0xb9: {  	_ =	swait.ge [sflag:s29], $0x1  }
0xba: {  	[sflag:s29] =	ssyncadd.s32 $0xFFFFFFFF  }
0xbb: {  	_ =	strace $0x9000004B  }
0xbc: {  	_ =	sfence  }
0xbd: {  	s30 =	sld [smem:$0x0];
	_ =	sdelay $0x2  }
0xbe: {  	s31 =	sshll.u32 s1, $0xD;
	s1 =	sshrl.u32 s1, $0x2  }
0xbf: {  	s3 =	sand.u32 $0x4000, s31;
	s1 =	sadd.s32 s1, s30  }
0xc0: {  	s0 =	sor.u32 s3, s0;
	s1 =	sshll.u32 s1, $0x11  }
0xc1: {  	s0 =	sor.u32 s1, s0  }
0xc2: {  	s0 =	sadd.s32 $0x8F2B, s0  }
0xc3: {  	[sflag:s0] =	ssyncadd.remote.s32 $0x1  }
0xc4: {  	_ =	sfence.sel $0xFFFF  }
0xc5: {  	[dreg:$0x0] =	wrdreg $0xFFFFFFFF;
	(pc) =	sbr.abs _section_cstart, $3  }
0xc6: {  	[dreg:$0x1] =	wrdreg $0xFFFFFFFF  }
0xc7: {  	_ =	task.clear_ibuf [dreg:s7], $0x2FFFF;
	_ =	strace $0x9FFFFFFF  }
0xc8: {  	(tm) =	ssettm $0x7FFFFFFF  }
0xc9: {  	_ =	shalt  }
tec
execute0_lowered:
.L_overlay_start_1:
0x0: {  	(tag) =	ssettag $0x1  }
0x1: {  	s1 =	srdreg.scid  }
0x2: {  	s2 =	stileid.u32;
	s1 =	sand.u32 $0x1, s1  }
0x3: {  	s2 =	sshll.u32 s2, $0x1;
	s3 =	ssub.s32 $0x0, s1  }
0x4: {  	p0 =	sne.s32 s2, s3  }
.Ltmp0:
0x5: {  	_ = 	snop;
	(pc) =	sbr.rel @p0 .LBB2_7-.Ltmp0, $2  }
0x6: {  	_ =	sdelay $0x2  }
0x7: {  	s0 =	rddreg [dreg:$0x0];
	_ =	strace $0x8000004A  }
0x8: {  	s3 =	sadd.s32 $0x3E00, s0;
	s4 =	sadd.s32 $0x4A00, s0  }
0x9: {  	s5 =	sadd.s32 $0x4200, s0;
	s6 =	sadd.s32 $0x4600, s0;
	s7 =	sadd.s32 $0x5800, s0  }
0xa: {  	s8 =	sadd.s32 $0x3A00, s0;
	s9 =	sadd.s32 $0x2E00, s0;
	s1 =	ssub.s32 $0x2, s1  }
0xb: {  	s10 =	sadd.s32 $0x3200, s0;
	s11 =	sadd.s32 $0x4E00, s0;
	s12 =	sadd.s32 $0x5200, s0  }
0xc: {  	s13 =	sadd.s32 $0x5600, s0;
	s15 =	simm.s32 $0x0;
	s16 =	simm.s32 $0x1  }
0xd: {  	s20 =	simm.s32 $0x5000;
	s21 =	simm.s32 $0x6400;
	s22 =	simm.s32 $0x7800  }
0xe: {  	s23 =	simm.s32 $0x8C00;
	s24 =	simm.s32 $0xA000;
	s2 =	sshrl.u32 s1, $0x1  }
0xf: {  	v0 =	vimm.s32 $0x0;
	s25 =	simm.s32 $0xB400;
	s26 =	simm.s32 $0xC800;
	s31 =	ssub.s32 s1, s2  }
0x10: {  	v1 =	vimm.f32 $-3.000000000e+00;
	v2 =	vimm.f32 $0.0e+00;
	v3 =	vlaneseq.u32;
	s28 =	simm.s32 $0xDC00;
	s29 =	simm.s32 $0x0;
	s14 =	smax.u32 s31, $0x1  }
.LBB2_2:
0x11: {  	[tilespmem:s15], [sflag:$0x1] =	stream.linear.gather [hbm4b:s3+s15], $0x1400, $0x38;
	[tilespmem:$0xDC80] =	vst v63  }
0x12: {  	_ =	swait.ge [sflag:s16], $0x1400  }
0x13: {  	[sflag:s16] =	ssyncset.done $0x0  }
0x14: {  	[sflag:s16] =	ssyncadd.s32 $0xFFFFEC00  }
0x15: {  	s1 =	simm.s32 $0x1400;
	s0 =	rddreg [dreg:$0x1]  }
0x16: {  	[tilespmem:s1], [sflag:$0x1] =	stream.linear.gather [hbm4b:s0+s15], $0x1400, $0x38;
	[tilespmem:$0xDC80] =	vst v63  }
0x17: {  	_ =	swait.ge [sflag:s16], $0x1400  }
0x18: {  	[sflag:s16] =	ssyncset.done $0x0  }
0x19: {  	s30 =	simm.s32 $0x2800;
	[sflag:s16] =	ssyncadd.s32 $0xFFFFEC00  }
0x1a: {  	[tilespmem:s30], [sflag:$0x1] =	stream.linear.gather [hbm4b:s4+s15], $0x1400, $0x38;
	[tilespmem:$0xDC80] =	vst v63  }
0x1b: {  	_ =	swait.ge [sflag:s16], $0x1400  }
0x1c: {  	[sflag:s16] =	ssyncset.done $0x0  }
0x1d: {  	s31 =	simm.s32 $0x3C00;
	[sflag:s16] =	ssyncadd.s32 $0xFFFFEC00  }
0x1e: {  	[tilespmem:s31], [sflag:$0x1] =	stream.linear.gather [hbm4b:s5+s15], $0x1400, $0x38;
	[tilespmem:$0xDC80] =	vst v63  }
0x1f: {  	_ =	swait.ge [sflag:s16], $0x1400  }
0x20: {  	[sflag:s16] =	ssyncset.done $0x0  }
0x21: {  	[sflag:s16] =	ssyncadd.s32 $0xFFFFEC00  }
0x22: {  	[tilespmem:s20], [sflag:$0x1] =	stream.linear.gather [hbm4b:s6+s15], $0x1400, $0x38;
	[tilespmem:$0xDC80] =	vst v63  }
0x23: {  	_ =	swait.ge [sflag:s16], $0x1400  }
0x24: {  	[sflag:s16] =	ssyncset.done $0x0  }
0x25: {  	s0 =	simm.s32 $0x0;
	[sflag:s16] =	ssyncadd.s32 $0xFFFFEC00  }
.LBB2_3:
0x26: {  	p0 =	sne.s32 s0, $0x4FC0  }
.Ltmp1:
0x27: {  	_ = 	snop;
	(pc) =	sbr.rel @p0 .LBB2_3-.Ltmp1, $4  }
0x28: {  	s1 =	sshra.s32 s0, $0x2  }
0x29: {  	[tilespmem:s1+$0x6400] =	vst v0  }
0x2a: {  	[tilespmem:s1+$0x7800] =	vst v1  }
0x2b: {  	s0 =	sadd.s32 $0x40, s0;
	[tilespmem:s1+$0x8C00] =	vst v2  }
0x2c: {  	s30 =	simm.s32 $0x0  }
0x2d: {  	v5 =	vld [tilespmem:s30+$0x0];
	_ =	sdelay $0x4  }
0x2e: {  	vm0 =	vge.f32 v5, $1.000000010e-01  }
0x2f: {  	v4 =	vsel vm0, $0x1, v0  }
0x30: {  	(xrf0) =	vadd.scan.msk.s32 $0xffff, v4;
	_ =	sdelay $0x4  }
0x31: {  	v4 =	vsel vm0, $0xFFFFFFFF, v0  }
0x32: {  	v4 =	vadd.s32 s30, v4;
	v6, _, _ =	vpop (xrf0)  }
0x33: {  	v4 =	vadd.s32 v6, v4;
	_ =	sdelay $0x3  }
0x34: {  	v7 =	vor.u32 s30, v3  }
0x35: {  	[tilespmem:v4+s21+$0x0] =	vst.idx.msk vm0, v7  }
0x36: {  	s31 =	simm.s32 $0x1400;
	[tilespmem:v4+s22+$0x0] =	vst.idx.msk vm0, v5  }
0x37: {  	v5 =	vld [tilespmem:s31+$0x0];
	_ =	sdelay $0x4  }
0x38: {  	s1 =	simm.s32 $0x2800;
	[tilespmem:v4+s23+$0x0] =	vst.idx.msk vm0, v5  }
0x39: {  	(v2sf) =	vpush v6, $0xF;
	v5 =	vld [tilespmem:s1+$0x0];
	_ =	sdelay $0x4  }
0x3a: {  	s0 =	simm.s32 $0x3C00;
	[tilespmem:v4+s24+$0x0] =	vst.idx.msk vm0, v5  }
0x3b: {  	v5 =	vld [tilespmem:s0+$0x0];
	_ =	sdelay $0x4  }
0x3c: {  	s17 =	simm.s32 $0x5000;
	[tilespmem:v4+s25+$0x0] =	vst.idx.msk vm0, v5  }
0x3d: {  	v5 =	vld [tilespmem:s17+$0x0];
	_ =	sdelay $0x2  }
0x3e: {  	s18 =	simm.s32 $0x5010;
	s2 =	spop (v2sf)  }
0x3f: {  	s2 =	sadd.s32 $0x0, s2;
	s0 =	simm.s32 $0x10;
	s17 =	simm.s32 $0x3C10  }
.LBB2_5:
0x40: {  	[tilespmem:v4+s26+$0x0] =	vst.idx.msk vm0, v5;
	s30 =	sadd.s32 $0x10, s30;
	s31 =	sadd.s32 $0x10, s31;
	s1 =	sadd.s32 $0x10, s1  }
0x41: {  	p0 =	sne.s32 s0, $0x13F0;
	s19 =	smov.u32 s0;
	s0 =	sadd.s32 $0x10, s0;
	v5 =	vld [tilespmem:s30+$0x0]  }
0x42: {  	_ =	sdelay $0x3  }
0x43: {  	vm0 =	vge.f32 v5, $1.000000010e-01  }
0x44: {  	v4 =	vsel vm0, $0xFFFFFFFF, v0;
	v6 =	vsel vm0, $0x1, v0  }
0x45: {  	(xrf0) =	vadd.scan.msk.s32 $0xffff, v6;
	_ =	sdelay $0x5  }
0x46: {  	v4 =	vadd.s32 s2, v4;
	v6, _, _ =	vpop (xrf0)  }
0x47: {  	v4 =	vadd.s32 v6, v4;
	(v2sf) =	vpush v6, $0xF;
	_ =	sdelay $0x3  }
0x48: {  	v6 =	vor.u32 s19, v3  }
0x49: {  	[tilespmem:v4+s21+$0x0] =	vst.idx.msk vm0, v6  }
0x4a: {  	[tilespmem:v4+s22+$0x0] =	vst.idx.msk vm0, v5  }
0x4b: {  	v5 =	vld [tilespmem:s31+$0x0];
	_ =	sdelay $0x4  }
0x4c: {  	[tilespmem:v4+s23+$0x0] =	vst.idx.msk vm0, v5  }
0x4d: {  	v5 =	vld [tilespmem:s1+$0x0];
	_ =	sdelay $0x1  }
0x4e: {  	s19 =	spop (v2sf)  }
0x4f: {  	s2 =	sadd.s32 s2, s19;
	_ =	sdelay $0x1  }
0x50: {  	[tilespmem:v4+s24+$0x0] =	vst.idx.msk vm0, v5  }
0x51: {  	v5 =	vld [tilespmem:s17+$0x0];
	_ =	sdelay $0x4  }
0x52: {  	[tilespmem:v4+s25+$0x0] =	vst.idx.msk vm0, v5  }
.Ltmp2:
0x53: {  	v5 =	vld [tilespmem:s18+$0x0];
	(pc) =	sbr.rel @p0 .LBB2_5-.Ltmp2, $2  }
0x54: {  	_ =	sdelay $0x2  }
0x55: {  	s17 =	sadd.s32 $0x10, s17;
	s18 =	sadd.s32 $0x10, s18  }
0x56: {  	_ =	sdelay $0x4  }
0x57: {  	[tilespmem:v4+s26+$0x0] =	vst.idx.msk vm0, v5;
	v4 =	vmov s2  }
0x58: {  	[tilespmem:$0xDC00] =	vst v4  }
0x59: {  	[hbm4b:s7+s15] =	stream.linear.scatter [tilespmem:s21], [sflag:$0x1], $0x1400, $0x38;
	[tilespmem:$0xDC80] =	vst v63  }
0x5a: {  	_ =	swait.ge [sflag:s16], $0x1400  }
0x5b: {  	[sflag:s16] =	ssyncset.done $0x0  }
0x5c: {  	[sflag:s16] =	ssyncadd.s32 $0xFFFFEC00  }
0x5d: {  	[hbm4b:s8+s15] =	stream.linear.scatter [tilespmem:s22], [sflag:$0x1], $0x1400, $0x38;
	[tilespmem:$0xDC80] =	vst v63  }
0x5e: {  	_ =	swait.ge [sflag:s16], $0x1400  }
0x5f: {  	[sflag:s16] =	ssyncset.done $0x0  }
0x60: {  	[sflag:s16] =	ssyncadd.s32 $0xFFFFEC00  }
0x61: {  	[hbm4b:s9+s15] =	stream.linear.scatter [tilespmem:s23], [sflag:$0x1], $0x1400, $0x38;
	[tilespmem:$0xDC80] =	vst v63  }
0x62: {  	_ =	swait.ge [sflag:s16], $0x1400  }
0x63: {  	[sflag:s16] =	ssyncset.done $0x0  }
0x64: {  	[sflag:s16] =	ssyncadd.s32 $0xFFFFEC00  }
0x65: {  	[hbm4b:s10+s15] =	stream.linear.scatter [tilespmem:s24], [sflag:$0x1], $0x1400, $0x38;
	[tilespmem:$0xDC80] =	vst v63  }
0x66: {  	_ =	swait.ge [sflag:s16], $0x1400  }
0x67: {  	[sflag:s16] =	ssyncset.done $0x0  }
0x68: {  	[sflag:s16] =	ssyncadd.s32 $0xFFFFEC00  }
0x69: {  	[hbm4b:s11+s15] =	stream.linear.scatter [tilespmem:s25], [sflag:$0x1], $0x1400, $0x38;
	[tilespmem:$0xDC80] =	vst v63  }
0x6a: {  	_ =	swait.ge [sflag:s16], $0x1400  }
0x6b: {  	[sflag:s16] =	ssyncset.done $0x0  }
0x6c: {  	[sflag:s16] =	ssyncadd.s32 $0xFFFFEC00  }
0x6d: {  	[hbm4b:s12+s15] =	stream.linear.scatter [tilespmem:s26], [sflag:$0x1], $0x1400, $0x38;
	[tilespmem:$0xDC80] =	vst v63  }
0x6e: {  	s29 =	sadd.s32 $0x1, s29;
	_ =	swait.ge [sflag:s16], $0x1400  }
0x6f: {  	p0 =	sne.s32 s29, s14;
	[sflag:s16] =	ssyncset.done $0x0  }
.Ltmp3:
0x70: {  	[sflag:s16] =	ssyncadd.s32 $0xFFFFEC00;
	(pc) =	sbr.rel @p0 .LBB2_2-.Ltmp3, $4  }
0x71: {  	[hbm4b:s13+s15] =	stream.linear.scatter [tilespmem:s28], [sflag:$0x1], $0x80, $0x38;
	[tilespmem:$0xDC80] =	vst v63  }
0x72: {  	_ =	swait.ge [sflag:s16], $0x80  }
0x73: {  	[sflag:s16] =	ssyncset.done $0x0  }
0x74: {  	[sflag:s16] =	ssyncadd.s32 $0xFFFFFF80  }
.LBB2_7:
0x75: {  	_ =	sfence.sel $0x180000  }
0x76: {  	[bflag:$0x0] =	sbarrier.arrive $0xFFFF  }
0x77: {  	_ =	strace $0x9000004A  }
0x78: {  	s0 =	stileid.u32;
	[bflag:$0x2] =	sbarrier.arrive $0xFFFF  }
0x79: {  	p0 =	sne.s32 s0, $0x0;
	s0 =	rddreg [dreg:$0x2]  }
0x7a: {  	s0 =	sadd.s32 @!p0 $0x100000, s0  }
0x7b: {  	[sflag:s0] =	ssyncadd.tile.s32 @!p0 $0x1;
	_ =	shalt  }
.Lfunc_end2:
_tile_overlayer_lowered:
.L_overlay_start_2:
0x7c: {  	(tag) =	ssettag $0x2  }
0x7d: {  	s0 =	rddreg [dreg:$0x0];
	s2 =	stileid.u32  }
0x7e: {  	s1 =	rddreg [dreg:$0x1];
	p0 =	sne.s32 s2, $0x0  }
0x7f: {  	s3 =	rddreg [dreg:$0x2];
	[bflag:$0x3] =	sbarrier.arrive $0xFFFF;
	s2 =	simm.s32 @!p0 $0x1C01  }
0x80: {  	[timem:s3], [sflag:s2] =	dma.local @!p0 [hbm:s0], s1  }
0x81: {  	s0 =	simm.s32 @!p0 $0x1  }
0x82: {  	_ =	swait.ge @!p0 [sflag:s0], s1  }
0x83: {  	s1 =	ssub.s32 @!p0 $0x0, s1;
	[sflag:s0] =	ssyncset.done @!p0 $0x0  }
0x84: {  	[sflag:s0] =	ssyncadd.s32 @!p0 s1  }
0x85: {  	[bflag:$0x3] =	sbarrier.arrive $0xFFFF  }
0x86: {  	_ =	shalt  }

// kernel: kernel.15.cloned.1.call-start
scs
__scs_entry_jumppad:
0x0: {  	(pc) =	sbr.rel $0x88, $3  }
0x1: {  	(tag) =	ssettag $0x0;
	lr =	simm.s32 $0x1  }
0x2: {  	[smem:$0x3F9C] =	sst lr;
	_ =	strace $0xD0000000  }
0x3: {  	_ = 	snop  }
0x4: {  	_ = 	snop  }
0x5: {  	_ = 	snop  }
0x6: {  	_ = 	snop  }
0x7: {  	_ = 	snop  }
__scs_overlays_trampoline_lowered:
0x8: {  	[smem:$0x3FAB] =	sst s0  }
0x9: {  	[smem:$0x3FAC] =	sst s1  }
0xa: {  	[smem:$0x3FAD] =	sst s2  }
0xb: {  	[smem:$0x3FAE] =	sst s3  }
0xc: {  	[smem:$0x3FAF] =	sst s4  }
0xd: {  	[smem:$0x3FB0] =	sst s5  }
0xe: {  	[smem:$0x3FB1] =	sst s6  }
0xf: {  	[smem:$0x3FB2] =	sst s7  }
0x10: {  	[smem:$0x3FB3] =	sst s8  }
0x11: {  	[smem:$0x3FB4] =	sst s9;
	s0 =	simm.s32 @!p0 $0x0  }
0x12: {  	s1 =	sld [smem:$0x3F9A];
	s0 =	simm.s32 @p0 $0x1  }
0x13: {  	[smem:$0x3FB5] =	sst s0;
	s0 =	simm.s32 @!p1 $0x0  }
0x14: {  	s2 =	sld [smem:$0x3F99];
	s0 =	simm.s32 @p1 $0x1  }
0x15: {  	[smem:$0x3FB6] =	sst s0;
	s0 =	simm.s32 @!p2 $0x0  }
0x16: {  	s3 =	sld [smem:$0x3FDB];
	s0 =	simm.s32 @p2 $0x1  }
0x17: {  	s4 =	simm.s32 $0x1BF5;
	[smem:$0x3FB8] =	sst s0  }
0x18: {  	s0 =	sld [smem:$0x3F9B];
	_ =	swait.ge [sflag:s4], $0x0  }
0x19: {  	s7 =	sld [smem:$0x3F9C]  }
0x1a: {  	s8 =	sadd.s32 $0xFFFFE003, lr  }
0x1b: {  	s9 =	sadd.s32 $0xFFFFFEF7, lr;
	s5 =	simm.s32 $0xFFFFFFFF;
	p2 =	slt.u32 s8, $0xFFFFF086  }
0x1c: {  	p1 =	slt.u32 s9, $0xF7A;
	s5 =	simm.s32 @!p2 $0x0  }
0x1d: {  	s5 =	simm.s32 @p1 $0x1;
	p0 =	seq.s32 s7, s2  }
0x1e: {  	s7 =	smul.u32 @!p0 $0xF7A, s2;
	p2 =	seq.s32 @!p0 s5, $0x0  }
0x1f: {  	s9 =	smul.u32 $0xF7A, s1;
	s8 =	simm.s32 @!p0 $0x1BF5;
	p2 =	por !p2, p0  }
0x20: {  	[sflag:s8] =	ssyncset.s32 @!p0 $0xFFFFF086;
	s6 =	sadd.s32 @!p0 s3, s7;
	s7 =	simm.s32 @!p0 $0x108  }
0x21: {  	s3 =	sadd.s32 s3, s9;
	s6 =	sadd.s32 @!p0 $0x88, s6;
	s7 =	simm.s32 @p2 $0x1082  }
0x22: {  	[simem:s7], [sflag:s8] =	dma.local @!p0 [hbm:s6], $0xF7A  }
0x23: {  	s9 =	sor.u32 $0xD0000000, s2;
	s6 =	simm.s32 $0x108;
	_ =	swait.ge @!p0 [sflag:s8], $0x0  }
0x24: {  	s3 =	sadd.s32 $0x88, s3;
	s6 =	simm.s32 @!p1 $0x1082;
	[sflag:s4] =	ssyncset.s32 $0xFFFFF086  }
0x25: {  	[simem:s6], [sflag:s4] =	dma.local [hbm:s3], $0xF7A  }
0x26: {  	[smem:$0x3F9C] =	sst s1;
	(tag) =	ssettag s2;
	_ =	strace s9  }
0x27: {  	s1 =	sld [smem:$0x3FAC]  }
0x28: {  	s2 =	sld [smem:$0x3FAD]  }
0x29: {  	s4 =	sld [smem:$0x3FAF]  }
0x2a: {  	p0 =	seq.s32 s5, $0x0;
	s5 =	sld [smem:$0x3FB0]  }
0x2b: {  	s6 =	sld [smem:$0x3FB1]  }
0x2c: {  	s7 =	sld [smem:$0x3FB2]  }
0x2d: {  	s3 =	simm.s32 $0x108;
	s8 =	sld [smem:$0x3FB3]  }
0x2e: {  	s3 =	simm.s32 @!p0 $0x1082;
	s9 =	sld [smem:$0x3FB4]  }
0x2f: {  	lr =	sadd.s32 s0, s3;
	s0 =	sld [smem:$0x3FAB]  }
0x30: {  	s3 =	sld [smem:$0x3FAE]  }
0x31: {  	[smem:$0x3FB7] =	sst s10  }
0x32: {  	s10 =	sld [smem:$0x3FB5];
	_ =	sdelay $0x3  }
0x33: {  	p0 =	seq.s32 s10, $0x1;
	s10 =	sld [smem:$0x3FB7];
	_ =	sdelay $0x3  }
0x34: {  	[smem:$0x3FB7] =	sst s10  }
0x35: {  	s10 =	sld [smem:$0x3FB6];
	_ =	sdelay $0x3  }
0x36: {  	p1 =	seq.s32 s10, $0x1;
	s10 =	sld [smem:$0x3FB7];
	_ =	sdelay $0x3  }
0x37: {  	[smem:$0x3FB7] =	sst s10  }
0x38: {  	s10 =	sld [smem:$0x3FB8]  }
0x39: {  	_ = 	snop;
	(pc) =	sbr.ind lr, $3  }
0x3a: {  	_ = 	snop  }
0x3b: {  	_ = 	snop  }
0x3c: {  	p2 =	seq.s32 s10, $0x1;
	s10 =	sld [smem:$0x3FB7]  }
0x3d: {  	_ =	shalt  }
0x3e: {  	_ =	shalt  }
0x3f: {  	_ =	shalt  }
0x40: {  	_ =	shalt  }
0x41: {  	_ =	shalt  }
0x42: {  	_ =	shalt  }
0x43: {  	_ =	shalt  }
0x44: {  	_ =	shalt  }
0x45: {  	_ =	shalt  }
0x46: {  	_ =	shalt  }
0x47: {  	_ =	shalt  }
0x48: {  	_ =	shalt  }
0x49: {  	_ =	shalt  }
0x4a: {  	_ =	shalt  }
0x4b: {  	_ =	shalt  }
0x4c: {  	_ =	shalt  }
0x4d: {  	_ =	shalt  }
0x4e: {  	_ =	shalt  }
0x4f: {  	_ =	shalt  }
0x50: {  	_ =	shalt  }
0x51: {  	_ =	shalt  }
0x52: {  	_ =	shalt  }
0x53: {  	_ =	shalt  }
0x54: {  	_ =	shalt  }
0x55: {  	_ =	shalt  }
0x56: {  	_ =	shalt  }
0x57: {  	_ =	shalt  }
0x58: {  	_ =	shalt  }
0x59: {  	_ =	shalt  }
0x5a: {  	_ =	shalt  }
0x5b: {  	_ =	shalt  }
0x5c: {  	_ =	shalt  }
0x5d: {  	_ =	shalt  }
0x5e: {  	_ =	shalt  }
0x5f: {  	_ =	shalt  }
0x60: {  	_ =	shalt  }
0x61: {  	_ =	shalt  }
0x62: {  	_ =	shalt  }
0x63: {  	_ =	shalt  }
0x64: {  	_ =	shalt  }
0x65: {  	_ =	shalt  }
0x66: {  	_ =	shalt  }
0x67: {  	_ =	shalt  }
0x68: {  	_ =	shalt  }
0x69: {  	_ =	shalt  }
0x6a: {  	_ =	shalt  }
0x6b: {  	_ =	shalt  }
0x6c: {  	_ =	shalt  }
0x6d: {  	_ =	shalt  }
0x6e: {  	_ =	shalt  }
0x6f: {  	_ =	shalt  }
0x70: {  	_ =	shalt  }
0x71: {  	_ =	shalt  }
0x72: {  	_ =	shalt  }
0x73: {  	_ =	shalt  }
0x74: {  	_ =	shalt  }
0x75: {  	_ =	shalt  }
0x76: {  	_ =	shalt  }
0x77: {  	_ =	shalt  }
0x78: {  	_ =	shalt  }
0x79: {  	_ =	shalt  }
0x7a: {  	_ =	shalt  }
0x7b: {  	_ =	shalt  }
0x7c: {  	_ =	shalt  }
0x7d: {  	_ =	shalt  }
0x7e: {  	_ =	shalt  }
0x7f: {  	_ =	shalt  }
0x80: {  	_ =	shalt  }
0x81: {  	_ =	shalt  }
0x82: {  	_ =	shalt  }
0x83: {  	_ =	shalt  }
0x84: {  	_ =	shalt  }
0x85: {  	_ =	shalt  }
0x86: {  	_ =	shalt  }
0x87: {  	_ =	shalt  }
.Lfunc_end0:
.L_simem_size_0:
called_computation.2_lowered:
.L_overlay_start_0:
0x88: {  	s2 =	sld [smem:$0x3FD9]  }
0x89: {  	s3 =	sld [smem:$0x3FFE];
	_ =	sdelay $0x1  }
0x8a: {  	s1 =	srdreg.scid  }
0x8b: {  	s0 =	sand.u32 $0x1, s1  }
0x8c: {  	s14 =	sshll.u32 s0, $0xA;
	s2 =	sadd.s32 s3, s2  }
0x8d: {  	s2 =	sadd.s32 s2, s14  }
0x8e: {  	[smem:$0x3FC3] =	sst s2  }
0x8f: {  	_ = 	snop  }
0x90: {  	s2 =	sld [smem:$0x3FD0];
	_ =	sdelay $0x2  }
0x91: {  	s15 =	simm.s32 $0xA;
	s4 =	simm.s32 $0x10  }
0x92: {  	[smem:s4], [sflag:s15] =	dma.local [hbm:s2], $0x1  }
0x93: {  	_ =	swait.eq [sflag:s15], $0x1  }
0x94: {  	[sflag:s15] =	ssyncset.done $0x0  }
0x95: {  	[sflag:s15] =	ssyncadd.s32 $0xFFFFFFFF  }
0x96: {  	s16 =	sld [smem:$0x12];
	(tm) =	ssettm $0x1  }
0x97: {  	s17 =	sld [smem:$0x3FFB];
	_ =	sdelay $0x3  }
0x98: {  	_ =	strace s17  }
0x99: {  	s3 =	sld [smem:$0x3FFC];
	_ =	sdelay $0x3  }
0x9a: {  	_ =	strace s3  }
0x9b: {  	s3 =	sld [smem:$0x3FFD];
	_ =	sdelay $0x3  }
0x9c: {  	_ =	strace s3  }
0x9d: {  	_ =	strace $0x8FFFFFFF  }
0x9e: {  	s18 =	sld [smem:$0x3FDB];
	_ =	sdelay $0x1  }
0x9f: {  	s19 =	simm.s32 $_scs_section_size  }
0xa0: {  	s5 =	simm.s32 $_size__tile_overlayer_lowered;
	s6 =	simm.s32 $_tile_overlayer_lowered  }
0xa1: {  	s22 =	simm.s32 $0x1BFF;
	s21 =	sshll.u32 s6, $0x1;
	s3 =	sadd.s32 s19, s18  }
0xa2: {  	s7 =	simm.s32 $0x0;
	s20 =	sshll.u32 s5, $0x1;
	s5 =	sadd.s32 s21, s3  }
0xa3: {  	[timem:s7], [sflag:s22] =	dma.local [hbm:s5], s20  }
0xa4: {  	_ =	swait.ge [sflag:s22], s20  }
0xa5: {  	s4 =	ssub.s32 $0x0, s20;
	[sflag:s22] =	ssyncset.done $0x0  }
0xa6: {  	[sflag:s22] =	ssyncadd.s32 s4;
	_ =	sdelay $0x1  }
0xa7: {  	s23 =	simm.s32 $0x1B8B  }
0xa8: {  	_ =	swait.ge [sflag:s23], $0x1  }
0xa9: {  	[sflag:s23] =	ssyncset.done $0x0  }
0xaa: {  	s25 =	simm.s32 $0x1B8E;
	s24 =	sld [smem:$0x3FFE];
	[sflag:s23] =	ssyncadd.s32 $0xFFFFFFFF  }
0xab: {  	s26 =	simm.s32 $execute0_lowered;
	[smem:$0x3FD2] =	sst s25  }
0xac: {  	s5 =	sshll.u32 s26, $0x1;
	_ =	strace $0x8000004C;
	[dreg:$0x1] =	wrdreg $0xFFFFFFFF  }
0xad: {  	s28 =	simm.s32 $_size_execute0_lowered;
	s3 =	sadd.s32 s3, s5;
	[dreg:$0x0] =	wrdreg $0x0  }
0xae: {  	s5 =	sshll.u32 s28, $0x1;
	[dreg:$0x2] =	wrdreg s3  }
0xaf: {  	[dreg:$0x3] =	wrdreg s5  }
0xb0: {  	[dreg:$0x4] =	wrdreg $0xC0  }
0xb1: {  	_ =	task [dreg:s7], $0x5FFFF  }
0xb2: {  	[dreg:$0x1] =	wrdreg $0xFFFFFFFF  }
0xb3: {  	[dreg:$0x0] =	wrdreg $0x60  }
0xb4: {  	[dreg:$0x2] =	wrdreg s16  }
0xb5: {  	[dreg:$0x3] =	wrdreg s24  }
0xb6: {  	[dreg:$0x4] =	wrdreg $0x9  }
0xb7: {  	_ =	task.clear_ibuf [dreg:s7], $0x5FFFF;
	_ =	strace $0x9000004C  }
0xb8: {  	s29 =	simm.s32 $0x9;
	_ =	strace $0x8000004E  }
0xb9: {  	_ =	swait.ge [sflag:s29], $0x1  }
0xba: {  	[sflag:s29] =	ssyncadd.s32 $0xFFFFFFFF  }
0xbb: {  	_ =	strace $0x9000004E  }
0xbc: {  	_ =	sfence  }
0xbd: {  	s30 =	sld [smem:$0x0];
	_ =	sdelay $0x2  }
0xbe: {  	s31 =	sshll.u32 s1, $0xD;
	s1 =	sshrl.u32 s1, $0x2  }
0xbf: {  	s3 =	sand.u32 $0x4000, s31;
	s1 =	sadd.s32 s1, s30  }
0xc0: {  	s0 =	sor.u32 s3, s0;
	s1 =	sshll.u32 s1, $0x11  }
0xc1: {  	s0 =	sor.u32 s1, s0  }
0xc2: {  	s0 =	sadd.s32 $0x8F2B, s0  }
0xc3: {  	[sflag:s0] =	ssyncadd.remote.s32 $0x1  }
0xc4: {  	_ =	sfence.sel $0xFFFF  }
0xc5: {  	[dreg:$0x0] =	wrdreg $0xFFFFFFFF;
	(pc) =	sbr.abs _section_cstart, $3  }
0xc6: {  	[dreg:$0x1] =	wrdreg $0xFFFFFFFF  }
0xc7: {  	_ =	task.clear_ibuf [dreg:s7], $0x2FFFF;
	_ =	strace $0x9FFFFFFF  }
0xc8: {  	(tm) =	ssettm $0x7FFFFFFF  }
0xc9: {  	_ =	shalt  }
tec
execute0_lowered:
.L_overlay_start_1:
0x0: {  	(tag) =	ssettag $0x1  }
0x1: {  	s2 =	rddreg [dreg:$0x0];
	s1 =	srdreg.scid  }
0x2: {  	s0 =	stileid.u32;
	s5 =	rddreg [dreg:$0x1];
	s3 =	simm.s32 $0x0  }
0x3: {  	s11 =	simm.s32 $0x1500;
	s6 =	sand.u32 $0x1, s1;
	s4 =	sshll.u32 s0, $0x1  }
0x4: {  	s12 =	simm.s32 $0x1580;
	s1 =	rddreg [dreg:$0x2];
	s4 =	sor.u32 s6, s4  }
0x5: {  	s13 =	simm.s32 $0x0;
	[smem:$0x7FF] =	sst s3;
	s7 =	smul.u32 $0xA0, s4  }
0x6: {  	s10 =	smul.u32 $0x140, s0;
	_ =	strace $0x8000004D;
	s8 =	ssub.s32 $0x2, s6  }
0x7: {  	s31 =	smul.u32 $0xA0, s6;
	s9 =	sshrl.u32 s8, $0x1;
	s7 =	sshrl.u32 s7, $0x3  }
0x8: {  	s4 =	sadd.s32 $0x5600, s5;
	s8 =	ssub.s32 s8, s9;
	s7 =	sadd.s32 s7, s5  }
0x9: {  	s9 =	simm.s32 $0x1;
	s5 =	sadd.s32 $0x5800, s7;
	s6 =	sadd.s32 $0x2E00, s7  }
0xa: {  	v0 =	vlaneseq.u32;
	s7 =	smax.u32 s8, $0x1;
	s8 =	sadd.s32 s31, s10;
	s10 =	simm.s32 $0x1400  }
.LBB2_1:
0xb: {  	[tilespmem:s3], [sflag:$0x1] =	stream.linear.gather [hbm4b:s2+s3], $0x1400, $0x38;
	[tilespmem:$0x1680] =	vst v63  }
0xc: {  	_ =	swait.ge [sflag:s9], $0x1400  }
0xd: {  	[sflag:s9] =	ssyncset.done $0x0  }
0xe: {  	[sflag:s9] =	ssyncadd.s32 $0xFFFFEC00  }
0xf: {  	[tilespmem:s10], [sflag:$0x1] =	stream.linear.gather [hbm4b:s5+s3], $0xA0, $0x38;
	[tilespmem:$0x1680] =	vst v63  }
0x10: {  	_ =	swait.ge [sflag:s9], $0xA0  }
0x11: {  	[sflag:s9] =	ssyncset.done $0x0  }
0x12: {  	[sflag:s9] =	ssyncadd.s32 $0xFFFFFF60  }
0x13: {  	[tilespmem:s11], [sflag:$0x1] =	stream.linear.gather [hbm4b:s4+s3], $0x80, $0x38;
	[tilespmem:$0x1680] =	vst v63  }
0x14: {  	_ =	swait.ge [sflag:s9], $0x80  }
0x15: {  	[sflag:s9] =	ssyncset.done $0x0  }
0x16: {  	[sflag:s9] =	ssyncadd.s32 $0xFFFFFF80  }
0x17: {  	s15 =	simm.s32 $0x0;
	v1 =	vld [tilespmem:$0x1500]  }
0x18: {  	v2 =	vld [tilespmem:s15+$0x1400];
	_ =	sdelay $0x2  }
0x19: {  	v3 =	vor.u32 s8, v0  }
0x1a: {  	vm0 =	vlt.s32 v3, v1  }
0x1b: {  	v2 =	vnsel vm0, $0x0, v2  }
0x1c: {  	s14 =	simm.s32 $0x10  }
0x1d: {  	v4 =	vld [tilespmem:s14+$0x1400]  }
0x1e: {  	s16 =	sadd.s32 $0x10, s8  }
0x1f: {  	v3 =	vor.u32 s16, v0  }
0x20: {  	vm1 =	vlt.s32 v3, v1;
	v3 =	vld.idx.msk [tilespmem:v2+s3+$0x0], $0xffff;
	_ =	sdelay $0x1  }
0x21: {  	v2 =	vnsel vm1, $0x0, v4;
	_ =	sdelay $0x1  }
0x22: {  	s17 =	simm.s32 $0x20;
	s18 =	simm.s32 $0xC0;
	vm0 =	vmmov vm0  }
.LBB2_2:
0x23: {  	p0 =	sne.s32 s18, $0x240;
	v4 =	vld [tilespmem:s17+$0x1400];
	v3 =	vnsel vm0, $0xC0400000, v3;
	vm0 =	vmmov vm1  }
0x24: {  	[tilespmem:s15+$0x1580] =	vst v3;
	s15 =	smov.u32 s14;
	s14 =	smov.u32 s17  }
0x25: {  	s16 =	sadd.s32 $0x10, s16;
	v3 =	vld.idx.msk [tilespmem:v2+s3+$0x0], $0xffff  }
.Ltmp0:
0x26: {  	v2 =	vor.u32 s16, v0;
	(pc) =	sbr.rel @p0 .LBB2_2-.Ltmp0, $3  }
0x27: {  	vm1 =	vlt.s32 v2, v1  }
0x28: {  	v2 =	vnsel vm1, $0x0, v4;
	_ =	sdelay $0x1  }
0x29: {  	s17 =	sshra.s32 s18, $0x2;
	s18 =	sadd.s32 $0x40, s18  }
0x2a: {  	_ = 	snop  }
0x2b: {  	v4 =	vld [tilespmem:s17+$0x1400]  }
0x2c: {  	v3 =	vnsel vm0, $0xC0400000, v3  }
0x2d: {  	s31 =	sadd.s32 $0x10, s16;
	[tilespmem:s15+$0x1580] =	vst v3  }
0x2e: {  	v3 =	vor.u32 s31, v0;
	v2 =	vld.idx.msk [tilespmem:v2+s3+$0x0], $0xffff  }
0x2f: {  	vm15 =	vlt.s32 v3, v1  }
0x30: {  	v1 =	vnsel vm15, $0x0, v4;
	_ =	sdelay $0x1  }
0x31: {  	vm1 =	vmmov vm1  }
0x32: {  	v2 =	vnsel vm1, $0xC0400000, v2  }
0x33: {  	[tilespmem:s14+$0x1580] =	vst v2  }
0x34: {  	v1 =	vld.idx.msk [tilespmem:v1+s3+$0x0], $0xffff;
	_ =	sdelay $0x3  }
0x35: {  	s13 =	sadd.s32 $0x1, s13;
	vm0 =	vmmov vm15  }
0x36: {  	p0 =	sne.s32 s13, s7;
	v1 =	vnsel vm0, $0xC0400000, v1  }
.Ltmp1:
0x37: {  	[tilespmem:s17+$0x1580] =	vst v1;
	(pc) =	sbr.rel @p0 .LBB2_1-.Ltmp1, $4  }
0x38: {  	[hbm4b:s6+s3] =	stream.linear.scatter [tilespmem:s12], [sflag:$0x1], $0xA0, $0x38;
	[tilespmem:$0x1680] =	vst v63  }
0x39: {  	_ =	swait.ge [sflag:s9], $0xA0  }
0x3a: {  	[sflag:s9] =	ssyncset.done $0x0  }
0x3b: {  	[sflag:s9] =	ssyncadd.s32 $0xFFFFFF60  }
0x3c: {  	_ =	sfence.sel $0x180000  }
0x3d: {  	[bflag:$0x0] =	sbarrier.arrive $0xFFFF  }
0x3e: {  	p0 =	sne.s32 s0, $0x0;
	_ =	strace $0x9000004D  }
0x3f: {  	s0 =	sadd.s32 @!p0 $0x100000, s1;
	[bflag:$0x2] =	sbarrier.arrive $0xFFFF  }
0x40: {  	[sflag:s0] =	ssyncadd.tile.s32 @!p0 $0x1;
	_ =	shalt  }
.Lfunc_end2:
_tile_overlayer_lowered:
.L_overlay_start_2:
0x41: {  	(tag) =	ssettag $0x2  }
0x42: {  	s0 =	rddreg [dreg:$0x0];
	s2 =	stileid.u32  }
0x43: {  	s1 =	rddreg [dreg:$0x1];
	p0 =	sne.s32 s2, $0x0  }
0x44: {  	s3 =	rddreg [dreg:$0x2];
	[bflag:$0x3] =	sbarrier.arrive $0xFFFF;
	s2 =	simm.s32 @!p0 $0x1C01  }
0x45: {  	[timem:s3], [sflag:s2] =	dma.local @!p0 [hbm:s0], s1  }
0x46: {  	s0 =	simm.s32 @!p0 $0x1  }
0x47: {  	_ =	swait.ge @!p0 [sflag:s0], s1  }
0x48: {  	s1 =	ssub.s32 @!p0 $0x0, s1;
	[sflag:s0] =	ssyncset.done @!p0 $0x0  }
0x49: {  	[sflag:s0] =	ssyncadd.s32 @!p0 s1  }
0x4a: {  	[bflag:$0x3] =	sbarrier.arrive $0xFFFF  }
0x4b: {  	_ =	shalt  }

// kernel: kernel.18.cloned.1.call-start
scs
__scs_entry_jumppad:
0x0: {  	(pc) =	sbr.rel $0x88, $3  }
0x1: {  	(tag) =	ssettag $0x0;
	lr =	simm.s32 $0x1  }
0x2: {  	[smem:$0x3F9C] =	sst lr;
	_ =	strace $0xD0000000  }
0x3: {  	_ = 	snop  }
0x4: {  	_ = 	snop  }
0x5: {  	_ = 	snop  }
0x6: {  	_ = 	snop  }
0x7: {  	_ = 	snop  }
__scs_overlays_trampoline_lowered:
0x8: {  	[smem:$0x3FAB] =	sst s0  }
0x9: {  	[smem:$0x3FAC] =	sst s1  }
0xa: {  	[smem:$0x3FAD] =	sst s2  }
0xb: {  	[smem:$0x3FAE] =	sst s3  }
0xc: {  	[smem:$0x3FAF] =	sst s4  }
0xd: {  	[smem:$0x3FB0] =	sst s5  }
0xe: {  	[smem:$0x3FB1] =	sst s6  }
0xf: {  	[smem:$0x3FB2] =	sst s7  }
0x10: {  	[smem:$0x3FB3] =	sst s8  }
0x11: {  	[smem:$0x3FB4] =	sst s9;
	s0 =	simm.s32 @!p0 $0x0  }
0x12: {  	s1 =	sld [smem:$0x3F9A];
	s0 =	simm.s32 @p0 $0x1  }
0x13: {  	[smem:$0x3FB5] =	sst s0;
	s0 =	simm.s32 @!p1 $0x0  }
0x14: {  	s2 =	sld [smem:$0x3F99];
	s0 =	simm.s32 @p1 $0x1  }
0x15: {  	[smem:$0x3FB6] =	sst s0;
	s0 =	simm.s32 @!p2 $0x0  }
0x16: {  	s3 =	sld [smem:$0x3FDB];
	s0 =	simm.s32 @p2 $0x1  }
0x17: {  	s4 =	simm.s32 $0x1BF5;
	[smem:$0x3FB8] =	sst s0  }
0x18: {  	s0 =	sld [smem:$0x3F9B];
	_ =	swait.ge [sflag:s4], $0x0  }
0x19: {  	s7 =	sld [smem:$0x3F9C]  }
0x1a: {  	s8 =	sadd.s32 $0xFFFFE003, lr  }
0x1b: {  	s9 =	sadd.s32 $0xFFFFFEF7, lr;
	s5 =	simm.s32 $0xFFFFFFFF;
	p2 =	slt.u32 s8, $0xFFFFF086  }
0x1c: {  	p1 =	slt.u32 s9, $0xF7A;
	s5 =	simm.s32 @!p2 $0x0  }
0x1d: {  	s5 =	simm.s32 @p1 $0x1;
	p0 =	seq.s32 s7, s2  }
0x1e: {  	s7 =	smul.u32 @!p0 $0xF7A, s2;
	p2 =	seq.s32 @!p0 s5, $0x0  }
0x1f: {  	s9 =	smul.u32 $0xF7A, s1;
	s8 =	simm.s32 @!p0 $0x1BF5;
	p2 =	por !p2, p0  }
0x20: {  	[sflag:s8] =	ssyncset.s32 @!p0 $0xFFFFF086;
	s6 =	sadd.s32 @!p0 s3, s7;
	s7 =	simm.s32 @!p0 $0x108  }
0x21: {  	s3 =	sadd.s32 s3, s9;
	s6 =	sadd.s32 @!p0 $0x88, s6;
	s7 =	simm.s32 @p2 $0x1082  }
0x22: {  	[simem:s7], [sflag:s8] =	dma.local @!p0 [hbm:s6], $0xF7A  }
0x23: {  	s9 =	sor.u32 $0xD0000000, s2;
	s6 =	simm.s32 $0x108;
	_ =	swait.ge @!p0 [sflag:s8], $0x0  }
0x24: {  	s3 =	sadd.s32 $0x88, s3;
	s6 =	simm.s32 @!p1 $0x1082;
	[sflag:s4] =	ssyncset.s32 $0xFFFFF086  }
0x25: {  	[simem:s6], [sflag:s4] =	dma.local [hbm:s3], $0xF7A  }
0x26: {  	[smem:$0x3F9C] =	sst s1;
	(tag) =	ssettag s2;
	_ =	strace s9  }
0x27: {  	s1 =	sld [smem:$0x3FAC]  }
0x28: {  	s2 =	sld [smem:$0x3FAD]  }
0x29: {  	s4 =	sld [smem:$0x3FAF]  }
0x2a: {  	p0 =	seq.s32 s5, $0x0;
	s5 =	sld [smem:$0x3FB0]  }
0x2b: {  	s6 =	sld [smem:$0x3FB1]  }
0x2c: {  	s7 =	sld [smem:$0x3FB2]  }
0x2d: {  	s3 =	simm.s32 $0x108;
	s8 =	sld [smem:$0x3FB3]  }
0x2e: {  	s3 =	simm.s32 @!p0 $0x1082;
	s9 =	sld [smem:$0x3FB4]  }
0x2f: {  	lr =	sadd.s32 s0, s3;
	s0 =	sld [smem:$0x3FAB]  }
0x30: {  	s3 =	sld [smem:$0x3FAE]  }
0x31: {  	[smem:$0x3FB7] =	sst s10  }
0x32: {  	s10 =	sld [smem:$0x3FB5];
	_ =	sdelay $0x3  }
0x33: {  	p0 =	seq.s32 s10, $0x1;
	s10 =	sld [smem:$0x3FB7];
	_ =	sdelay $0x3  }
0x34: {  	[smem:$0x3FB7] =	sst s10  }
0x35: {  	s10 =	sld [smem:$0x3FB6];
	_ =	sdelay $0x3  }
0x36: {  	p1 =	seq.s32 s10, $0x1;
	s10 =	sld [smem:$0x3FB7];
	_ =	sdelay $0x3  }
0x37: {  	[smem:$0x3FB7] =	sst s10  }
0x38: {  	s10 =	sld [smem:$0x3FB8]  }
0x39: {  	_ = 	snop;
	(pc) =	sbr.ind lr, $3  }
0x3a: {  	_ = 	snop  }
0x3b: {  	_ = 	snop  }
0x3c: {  	p2 =	seq.s32 s10, $0x1;
	s10 =	sld [smem:$0x3FB7]  }
0x3d: {  	_ =	shalt  }
0x3e: {  	_ =	shalt  }
0x3f: {  	_ =	shalt  }
0x40: {  	_ =	shalt  }
0x41: {  	_ =	shalt  }
0x42: {  	_ =	shalt  }
0x43: {  	_ =	shalt  }
0x44: {  	_ =	shalt  }
0x45: {  	_ =	shalt  }
0x46: {  	_ =	shalt  }
0x47: {  	_ =	shalt  }
0x48: {  	_ =	shalt  }
0x49: {  	_ =	shalt  }
0x4a: {  	_ =	shalt  }
0x4b: {  	_ =	shalt  }
0x4c: {  	_ =	shalt  }
0x4d: {  	_ =	shalt  }
0x4e: {  	_ =	shalt  }
0x4f: {  	_ =	shalt  }
0x50: {  	_ =	shalt  }
0x51: {  	_ =	shalt  }
0x52: {  	_ =	shalt  }
0x53: {  	_ =	shalt  }
0x54: {  	_ =	shalt  }
0x55: {  	_ =	shalt  }
0x56: {  	_ =	shalt  }
0x57: {  	_ =	shalt  }
0x58: {  	_ =	shalt  }
0x59: {  	_ =	shalt  }
0x5a: {  	_ =	shalt  }
0x5b: {  	_ =	shalt  }
0x5c: {  	_ =	shalt  }
0x5d: {  	_ =	shalt  }
0x5e: {  	_ =	shalt  }
0x5f: {  	_ =	shalt  }
0x60: {  	_ =	shalt  }
0x61: {  	_ =	shalt  }
0x62: {  	_ =	shalt  }
0x63: {  	_ =	shalt  }
0x64: {  	_ =	shalt  }
0x65: {  	_ =	shalt  }
0x66: {  	_ =	shalt  }
0x67: {  	_ =	shalt  }
0x68: {  	_ =	shalt  }
0x69: {  	_ =	shalt  }
0x6a: {  	_ =	shalt  }
0x6b: {  	_ =	shalt  }
0x6c: {  	_ =	shalt  }
0x6d: {  	_ =	shalt  }
0x6e: {  	_ =	shalt  }
0x6f: {  	_ =	shalt  }
0x70: {  	_ =	shalt  }
0x71: {  	_ =	shalt  }
0x72: {  	_ =	shalt  }
0x73: {  	_ =	shalt  }
0x74: {  	_ =	shalt  }
0x75: {  	_ =	shalt  }
0x76: {  	_ =	shalt  }
0x77: {  	_ =	shalt  }
0x78: {  	_ =	shalt  }
0x79: {  	_ =	shalt  }
0x7a: {  	_ =	shalt  }
0x7b: {  	_ =	shalt  }
0x7c: {  	_ =	shalt  }
0x7d: {  	_ =	shalt  }
0x7e: {  	_ =	shalt  }
0x7f: {  	_ =	shalt  }
0x80: {  	_ =	shalt  }
0x81: {  	_ =	shalt  }
0x82: {  	_ =	shalt  }
0x83: {  	_ =	shalt  }
0x84: {  	_ =	shalt  }
0x85: {  	_ =	shalt  }
0x86: {  	_ =	shalt  }
0x87: {  	_ =	shalt  }
.Lfunc_end0:
.L_simem_size_0:
called_computation.3_lowered:
.L_overlay_start_0:
0x88: {  	s2 =	sld [smem:$0x3FD9]  }
0x89: {  	s3 =	sld [smem:$0x3FFE];
	_ =	sdelay $0x1  }
0x8a: {  	s1 =	srdreg.scid  }
0x8b: {  	s0 =	sand.u32 $0x1, s1  }
0x8c: {  	s14 =	sshll.u32 s0, $0xA;
	s2 =	sadd.s32 s3, s2  }
0x8d: {  	s2 =	sadd.s32 s2, s14  }
0x8e: {  	[smem:$0x3FC3] =	sst s2  }
0x8f: {  	_ = 	snop  }
0x90: {  	s2 =	sld [smem:$0x3FD0];
	_ =	sdelay $0x2  }
0x91: {  	s15 =	simm.s32 $0xA;
	s4 =	simm.s32 $0x10  }
0x92: {  	[smem:s4], [sflag:s15] =	dma.local [hbm:s2], $0x1  }
0x93: {  	_ =	swait.eq [sflag:s15], $0x1  }
0x94: {  	[sflag:s15] =	ssyncset.done $0x0  }
0x95: {  	s16 =	sld [smem:$0x10];
	[sflag:s15] =	ssyncadd.s32 $0xFFFFFFFF  }
0x96: {  	s17 =	sld [smem:$0x11];
	(tm) =	ssettm $0x1  }
0x97: {  	s18 =	sld [smem:$0x3FFB];
	_ =	sdelay $0x3  }
0x98: {  	_ =	strace s18  }
0x99: {  	s4 =	sld [smem:$0x3FFC];
	_ =	sdelay $0x3  }
0x9a: {  	_ =	strace s4  }
0x9b: {  	s4 =	sld [smem:$0x3FFD];
	_ =	sdelay $0x3  }
0x9c: {  	_ =	strace s4  }
0x9d: {  	_ =	strace $0x8FFFFFFF  }
0x9e: {  	s19 =	sld [smem:$0x3FDB];
	_ =	sdelay $0x1  }
0x9f: {  	s5 =	simm.s32 $_scs_section_size  }
0xa0: {  	s6 =	simm.s32 $_size__tile_overlayer_lowered;
	s7 =	simm.s32 $_tile_overlayer_lowered  }
0xa1: {  	s22 =	simm.s32 $0x1BFF;
	s21 =	sshll.u32 s7, $0x1;
	s4 =	sadd.s32 s5, s19  }
0xa2: {  	s8 =	simm.s32 $0x0;
	s20 =	sshll.u32 s6, $0x1;
	s6 =	sadd.s32 s21, s4  }
0xa3: {  	[timem:s8], [sflag:s22] =	dma.local [hbm:s6], s20  }
0xa4: {  	_ =	swait.ge [sflag:s22], s20  }
0xa5: {  	s5 =	ssub.s32 $0x0, s20;
	[sflag:s22] =	ssyncset.done $0x0  }
0xa6: {  	[sflag:s22] =	ssyncadd.s32 s5;
	_ =	sdelay $0x1  }
0xa7: {  	s23 =	simm.s32 $0x1B8B  }
0xa8: {  	_ =	swait.ge [sflag:s23], $0x1  }
0xa9: {  	[sflag:s23] =	ssyncset.done $0x0  }
0xaa: {  	s25 =	simm.s32 $0x1B8E;
	s24 =	sld [smem:$0x3FFE];
	[sflag:s23] =	ssyncadd.s32 $0xFFFFFFFF  }
0xab: {  	s26 =	simm.s32 $execute0_lowered;
	[smem:$0x3FD2] =	sst s25  }
0xac: {  	s6 =	sshll.u32 s26, $0x1;
	_ =	strace $0x8000004F;
	[dreg:$0x1] =	wrdreg $0xFFFFFFFF  }
0xad: {  	s28 =	simm.s32 $_size_execute0_lowered;
	s4 =	sadd.s32 s4, s6;
	[dreg:$0x0] =	wrdreg $0x0  }
0xae: {  	s6 =	sshll.u32 s28, $0x1;
	[dreg:$0x2] =	wrdreg s4  }
0xaf: {  	[dreg:$0x3] =	wrdreg s6  }
0xb0: {  	[dreg:$0x4] =	wrdreg $0xC0  }
0xb1: {  	_ =	task [dreg:s8], $0x5FFFF  }
0xb2: {  	[dreg:$0x1] =	wrdreg $0xFFFFFFFF  }
0xb3: {  	[dreg:$0x0] =	wrdreg $0x60  }
0xb4: {  	[dreg:$0x2] =	wrdreg s24  }
0xb5: {  	[dreg:$0x3] =	wrdreg s16  }
0xb6: {  	[dreg:$0x4] =	wrdreg s17  }
0xb7: {  	[dreg:$0x5] =	wrdreg $0x9  }
0xb8: {  	_ =	task.clear_ibuf [dreg:s8], $0x6FFFF;
	_ =	strace $0x9000004F  }
0xb9: {  	s29 =	simm.s32 $0x9;
	_ =	strace $0x80000051  }
0xba: {  	_ =	swait.ge [sflag:s29], $0x1  }
0xbb: {  	[sflag:s29] =	ssyncadd.s32 $0xFFFFFFFF  }
0xbc: {  	_ =	strace $0x90000051  }
0xbd: {  	_ =	sfence  }
0xbe: {  	s30 =	sld [smem:$0x0];
	_ =	sdelay $0x2  }
0xbf: {  	s31 =	sshll.u32 s1, $0xD;
	s1 =	sshrl.u32 s1, $0x2  }
0xc0: {  	s3 =	sand.u32 $0x4000, s31;
	s1 =	sadd.s32 s1, s30  }
0xc1: {  	s0 =	sor.u32 s3, s0;
	s1 =	sshll.u32 s1, $0x11  }
0xc2: {  	s0 =	sor.u32 s1, s0  }
0xc3: {  	s0 =	sadd.s32 $0x8F2B, s0  }
0xc4: {  	[sflag:s0] =	ssyncadd.remote.s32 $0x1  }
0xc5: {  	_ =	sfence.sel $0xFFFF  }
0xc6: {  	[dreg:$0x0] =	wrdreg $0xFFFFFFFF;
	(pc) =	sbr.abs _section_cstart, $3  }
0xc7: {  	[dreg:$0x1] =	wrdreg $0xFFFFFFFF  }
0xc8: {  	_ =	task.clear_ibuf [dreg:s8], $0x2FFFF;
	_ =	strace $0x9FFFFFFF  }
0xc9: {  	(tm) =	ssettm $0x7FFFFFFF  }
tec
execute0_lowered:
.L_overlay_start_1:
0x0: {  	(tag) =	ssettag $0x1  }
0x1: {  	s0 =	srdreg.scid  }
0x2: {  	s4 =	sand.u32 $0x1, s0;
	s0 =	stileid.u32  }
0x3: {  	s6 =	sshll.u32 s0, $0x1;
	s7 =	ssub.s32 $0x0, s4  }
0x4: {  	p0 =	sne.s32 s6, s7  }
.Ltmp0:
0x5: {  	_ = 	snop;
	(pc) =	sbr.rel @p0 .LBB2_5-.Ltmp0, $4  }
0x6: {  	s5 =	rddreg [dreg:$0x0]  }
0x7: {  	s2 =	rddreg [dreg:$0x1]  }
0x8: {  	s3 =	rddreg [dreg:$0x2]  }
0x9: {  	s1 =	rddreg [dreg:$0x3];
	_ =	strace $0x80000050  }
0xa: {  	s6 =	ssub.s32 $0x2, s4;
	s4 =	sadd.s32 $0x2E00, s5  }
0xb: {  	s5 =	sadd.s32 $0x3600, s5;
	s8 =	simm.s32 $0x1;
	s7 =	sshrl.u32 s6, $0x1  }
0xc: {  	s9 =	simm.s32 $0x2800;
	s10 =	simm.s32 $0x3C00;
	s6 =	ssub.s32 s6, s7  }
0xd: {  	v0 =	vlaneseq.u32;
	s11 =	simm.s32 $0x0;
	s7 =	simm.s32 $0x0;
	s6 =	smax.u32 s6, $0x1  }
.LBB2_2:
0xe: {  	[tilespmem:s7], [sflag:$0x1] =	stream.linear.gather [hbm4b:s4+s7], $0x1400, $0x38;
	[tilespmem:$0x5000] =	vst v63  }
0xf: {  	_ =	swait.ge [sflag:s8], $0x1400  }
0x10: {  	[sflag:s8] =	ssyncset.done $0x0  }
0x11: {  	s12 =	simm.s32 $0x1400;
	[sflag:s8] =	ssyncadd.s32 $0xFFFFEC00  }
0x12: {  	[tilespmem:s12], [sflag:$0x1] =	stream.linear.gather [hbm4b:s5+s7], $0x1400, $0x38;
	[tilespmem:$0x5000] =	vst v63  }
0x13: {  	_ =	swait.ge [sflag:s8], $0x1400  }
0x14: {  	[sflag:s8] =	ssyncset.done $0x0  }
0x15: {  	[sflag:s8] =	ssyncadd.s32 $0xFFFFEC00  }
0x16: {  	v1 =	vld [tilespmem:s7+$0x0];
	_ =	sdelay $0x3  }
0x17: {  	v2 =	vor.u32 s7, v0  }
0x18: {  	vm0 =	vlt.u32 v2, $0x1388;
	vm1 =	vlt.s32 v1, $0x200  }
0x19: {  	vm0 =	vmand vm0, vm1;
	_ =	sdelay $0x5  }
0x1a: {  	[tilespmem:v1+s9+$0x0] =	vst.idx.msk vm0, v2  }
0x1b: {  	v2 =	vld [tilespmem:s12+$0x0];
	_ =	sdelay $0x4  }
0x1c: {  	s13 =	simm.s32 $0x10;
	[tilespmem:v1+s10+$0x0] =	vst.idx.msk vm0, v2  }
0x1d: {  	s14 =	simm.s32 $0x20;
	s15 =	simm.s32 $0x10;
	v1 =	vld [tilespmem:s13+$0x0]  }
.LBB2_3:
0x1e: {  	p0 =	sne.s32 s14, $0x13F0;
	_ =	sdelay $0x2  }
0x1f: {  	v2 =	vor.u32 s13, v0;
	s13 =	smov.u32 s14  }
0x20: {  	vm0 =	vlt.u32 v2, $0x1388;
	vm1 =	vlt.s32 v1, $0x200  }
0x21: {  	vm0 =	vmand vm0, vm1;
	_ =	sdelay $0x5  }
0x22: {  	s12 =	sadd.s32 $0x10, s12;
	[tilespmem:v1+s9+$0x0] =	vst.idx.msk vm0, v2  }
0x23: {  	v2 =	vld [tilespmem:s12+$0x0];
	_ =	sdelay $0x1  }
.Ltmp1:
0x24: {  	(pc) =	sbr.rel @p0 .LBB2_3-.Ltmp1, $3  }
0x25: {  	_ =	sdelay $0x1  }
0x26: {  	s15 =	sadd.s32 $0x10, s15;
	[tilespmem:v1+s10+$0x0] =	vst.idx.msk vm0, v2  }
0x27: {  	s14 =	sadd.s32 $0x10, s14;
	v1 =	vld [tilespmem:s15+$0x0]  }
0x28: {  	_ =	sdelay $0x2  }
0x29: {  	v2 =	vor.u32 s13, v0  }
0x2a: {  	vm0 =	vlt.u32 v2, $0x1388;
	vm1 =	vlt.s32 v1, $0x200  }
0x2b: {  	vm0 =	vmand vm0, vm1;
	_ =	sdelay $0x5  }
0x2c: {  	s12 =	sadd.s32 $0x10, s12;
	[tilespmem:v1+s9+$0x0] =	vst.idx.msk vm0, v2  }
0x2d: {  	v2 =	vld [tilespmem:s12+$0x0];
	_ =	sdelay $0x4  }
0x2e: {  	[tilespmem:v1+s10+$0x0] =	vst.idx.msk vm0, v2  }
0x2f: {  	[hbm4b:s2+s7] =	stream.linear.scatter [tilespmem:s9], [sflag:$0x1], $0x200, $0x38;
	[tilespmem:$0x5000] =	vst v63  }
0x30: {  	s11 =	sadd.s32 $0x1, s11;
	_ =	swait.ge [sflag:s8], $0x200  }
0x31: {  	p0 =	sne.s32 s11, s6;
	[sflag:s8] =	ssyncset.done $0x0  }
.Ltmp2:
0x32: {  	[sflag:s8] =	ssyncadd.s32 $0xFFFFFE00;
	(pc) =	sbr.rel @p0 .LBB2_2-.Ltmp2, $4  }
0x33: {  	[hbm4b:s3+s7] =	stream.linear.scatter [tilespmem:s10], [sflag:$0x1], $0x200, $0x38;
	[tilespmem:$0x5000] =	vst v63  }
0x34: {  	_ =	swait.ge [sflag:s8], $0x200  }
0x35: {  	[sflag:s8] =	ssyncset.done $0x0  }
0x36: {  	[sflag:s8] =	ssyncadd.s32 $0xFFFFFE00  }
.LBB2_5:
0x37: {  	_ =	sfence.sel $0x180000  }
0x38: {  	[bflag:$0x0] =	sbarrier.arrive $0xFFFF  }
0x39: {  	p0 =	sne.s32 s0, $0x0;
	_ =	strace $0x90000050  }
0x3a: {  	s0 =	sadd.s32 @!p0 $0x100000, s1;
	[bflag:$0x2] =	sbarrier.arrive $0xFFFF  }
0x3b: {  	[sflag:s0] =	ssyncadd.tile.s32 @!p0 $0x1;
	_ =	shalt  }
.Lfunc_end2:
_tile_overlayer_lowered:
.L_overlay_start_2:
0x3c: {  	(tag) =	ssettag $0x2  }
0x3d: {  	s0 =	rddreg [dreg:$0x0];
	s2 =	stileid.u32  }
0x3e: {  	s1 =	rddreg [dreg:$0x1];
	p0 =	sne.s32 s2, $0x0  }
0x3f: {  	s3 =	rddreg [dreg:$0x2];
	[bflag:$0x3] =	sbarrier.arrive $0xFFFF;
	s2 =	simm.s32 @!p0 $0x1C01  }
0x40: {  	[timem:s3], [sflag:s2] =	dma.local @!p0 [hbm:s0], s1  }
0x41: {  	s0 =	simm.s32 @!p0 $0x1  }
0x42: {  	_ =	swait.ge @!p0 [sflag:s0], s1  }
0x43: {  	s1 =	ssub.s32 @!p0 $0x0, s1;
	[sflag:s0] =	ssyncset.done @!p0 $0x0  }
0x44: {  	[sflag:s0] =	ssyncadd.s32 @!p0 s1  }
0x45: {  	[bflag:$0x3] =	sbarrier.arrive $0xFFFF  }
0x46: {  	_ =	shalt  }

// kernel: kernel.9.cloned.1.call-start
scs
__scs_entry_jumppad:
0x0: {  	(pc) =	sbr.rel $0x88, $3  }
0x1: {  	(tag) =	ssettag $0x0;
	lr =	simm.s32 $0x1  }
0x2: {  	[smem:$0x3F9C] =	sst lr;
	_ =	strace $0xD0000000  }
0x3: {  	_ = 	snop  }
0x4: {  	_ = 	snop  }
0x5: {  	_ = 	snop  }
0x6: {  	_ = 	snop  }
0x7: {  	_ = 	snop  }
__scs_overlays_trampoline_lowered:
0x8: {  	[smem:$0x3FAB] =	sst s0  }
0x9: {  	[smem:$0x3FAC] =	sst s1  }
0xa: {  	[smem:$0x3FAD] =	sst s2  }
0xb: {  	[smem:$0x3FAE] =	sst s3  }
0xc: {  	[smem:$0x3FAF] =	sst s4  }
0xd: {  	[smem:$0x3FB0] =	sst s5  }
0xe: {  	[smem:$0x3FB1] =	sst s6  }
0xf: {  	[smem:$0x3FB2] =	sst s7  }
0x10: {  	[smem:$0x3FB3] =	sst s8  }
0x11: {  	[smem:$0x3FB4] =	sst s9;
	s0 =	simm.s32 @!p0 $0x0  }
0x12: {  	s1 =	sld [smem:$0x3F9A];
	s0 =	simm.s32 @p0 $0x1  }
0x13: {  	[smem:$0x3FB5] =	sst s0;
	s0 =	simm.s32 @!p1 $0x0  }
0x14: {  	s2 =	sld [smem:$0x3F99];
	s0 =	simm.s32 @p1 $0x1  }
0x15: {  	[smem:$0x3FB6] =	sst s0;
	s0 =	simm.s32 @!p2 $0x0  }
0x16: {  	s3 =	sld [smem:$0x3FDB];
	s0 =	simm.s32 @p2 $0x1  }
0x17: {  	s4 =	simm.s32 $0x1BF5;
	[smem:$0x3FB8] =	sst s0  }
0x18: {  	s0 =	sld [smem:$0x3F9B];
	_ =	swait.ge [sflag:s4], $0x0  }
0x19: {  	s7 =	sld [smem:$0x3F9C]  }
0x1a: {  	s8 =	sadd.s32 $0xFFFFE003, lr  }
0x1b: {  	s9 =	sadd.s32 $0xFFFFFEF7, lr;
	s5 =	simm.s32 $0xFFFFFFFF;
	p2 =	slt.u32 s8, $0xFFFFF086  }
0x1c: {  	p1 =	slt.u32 s9, $0xF7A;
	s5 =	simm.s32 @!p2 $0x0  }
0x1d: {  	s5 =	simm.s32 @p1 $0x1;
	p0 =	seq.s32 s7, s2  }
0x1e: {  	s7 =	smul.u32 @!p0 $0xF7A, s2;
	p2 =	seq.s32 @!p0 s5, $0x0  }
0x1f: {  	s9 =	smul.u32 $0xF7A, s1;
	s8 =	simm.s32 @!p0 $0x1BF5;
	p2 =	por !p2, p0  }
0x20: {  	[sflag:s8] =	ssyncset.s32 @!p0 $0xFFFFF086;
	s6 =	sadd.s32 @!p0 s3, s7;
	s7 =	simm.s32 @!p0 $0x108  }
0x21: {  	s3 =	sadd.s32 s3, s9;
	s6 =	sadd.s32 @!p0 $0x88, s6;
	s7 =	simm.s32 @p2 $0x1082  }
0x22: {  	[simem:s7], [sflag:s8] =	dma.local @!p0 [hbm:s6], $0xF7A  }
0x23: {  	s9 =	sor.u32 $0xD0000000, s2;
	s6 =	simm.s32 $0x108;
	_ =	swait.ge @!p0 [sflag:s8], $0x0  }
0x24: {  	s3 =	sadd.s32 $0x88, s3;
	s6 =	simm.s32 @!p1 $0x1082;
	[sflag:s4] =	ssyncset.s32 $0xFFFFF086  }
0x25: {  	[simem:s6], [sflag:s4] =	dma.local [hbm:s3], $0xF7A  }
0x26: {  	[smem:$0x3F9C] =	sst s1;
	(tag) =	ssettag s2;
	_ =	strace s9  }
0x27: {  	s1 =	sld [smem:$0x3FAC]  }
0x28: {  	s2 =	sld [smem:$0x3FAD]  }
0x29: {  	s4 =	sld [smem:$0x3FAF]  }
0x2a: {  	p0 =	seq.s32 s5, $0x0;
	s5 =	sld [smem:$0x3FB0]  }
0x2b: {  	s6 =	sld [smem:$0x3FB1]  }
0x2c: {  	s7 =	sld [smem:$0x3FB2]  }
0x2d: {  	s3 =	simm.s32 $0x108;
	s8 =	sld [smem:$0x3FB3]  }
0x2e: {  	s3 =	simm.s32 @!p0 $0x1082;
	s9 =	sld [smem:$0x3FB4]  }
0x2f: {  	lr =	sadd.s32 s0, s3;
	s0 =	sld [smem:$0x3FAB]  }
0x30: {  	s3 =	sld [smem:$0x3FAE]  }
0x31: {  	[smem:$0x3FB7] =	sst s10  }
0x32: {  	s10 =	sld [smem:$0x3FB5];
	_ =	sdelay $0x3  }
0x33: {  	p0 =	seq.s32 s10, $0x1;
	s10 =	sld [smem:$0x3FB7];
	_ =	sdelay $0x3  }
0x34: {  	[smem:$0x3FB7] =	sst s10  }
0x35: {  	s10 =	sld [smem:$0x3FB6];
	_ =	sdelay $0x3  }
0x36: {  	p1 =	seq.s32 s10, $0x1;
	s10 =	sld [smem:$0x3FB7];
	_ =	sdelay $0x3  }
0x37: {  	[smem:$0x3FB7] =	sst s10  }
0x38: {  	s10 =	sld [smem:$0x3FB8]  }
0x39: {  	_ = 	snop;
	(pc) =	sbr.ind lr, $3  }
0x3a: {  	_ = 	snop  }
0x3b: {  	_ = 	snop  }
0x3c: {  	p2 =	seq.s32 s10, $0x1;
	s10 =	sld [smem:$0x3FB7]  }
0x3d: {  	_ =	shalt  }
0x3e: {  	_ =	shalt  }
0x3f: {  	_ =	shalt  }
0x40: {  	_ =	shalt  }
0x41: {  	_ =	shalt  }
0x42: {  	_ =	shalt  }
0x43: {  	_ =	shalt  }
0x44: {  	_ =	shalt  }
0x45: {  	_ =	shalt  }
0x46: {  	_ =	shalt  }
0x47: {  	_ =	shalt  }
0x48: {  	_ =	shalt  }
0x49: {  	_ =	shalt  }
0x4a: {  	_ =	shalt  }
0x4b: {  	_ =	shalt  }
0x4c: {  	_ =	shalt  }
0x4d: {  	_ =	shalt  }
0x4e: {  	_ =	shalt  }
0x4f: {  	_ =	shalt  }
0x50: {  	_ =	shalt  }
0x51: {  	_ =	shalt  }
0x52: {  	_ =	shalt  }
0x53: {  	_ =	shalt  }
0x54: {  	_ =	shalt  }
0x55: {  	_ =	shalt  }
0x56: {  	_ =	shalt  }
0x57: {  	_ =	shalt  }
0x58: {  	_ =	shalt  }
0x59: {  	_ =	shalt  }
0x5a: {  	_ =	shalt  }
0x5b: {  	_ =	shalt  }
0x5c: {  	_ =	shalt  }
0x5d: {  	_ =	shalt  }
0x5e: {  	_ =	shalt  }
0x5f: {  	_ =	shalt  }
0x60: {  	_ =	shalt  }
0x61: {  	_ =	shalt  }
0x62: {  	_ =	shalt  }
0x63: {  	_ =	shalt  }
0x64: {  	_ =	shalt  }
0x65: {  	_ =	shalt  }
0x66: {  	_ =	shalt  }
0x67: {  	_ =	shalt  }
0x68: {  	_ =	shalt  }
0x69: {  	_ =	shalt  }
0x6a: {  	_ =	shalt  }
0x6b: {  	_ =	shalt  }
0x6c: {  	_ =	shalt  }
0x6d: {  	_ =	shalt  }
0x6e: {  	_ =	shalt  }
0x6f: {  	_ =	shalt  }
0x70: {  	_ =	shalt  }
0x71: {  	_ =	shalt  }
0x72: {  	_ =	shalt  }
0x73: {  	_ =	shalt  }
0x74: {  	_ =	shalt  }
0x75: {  	_ =	shalt  }
0x76: {  	_ =	shalt  }
0x77: {  	_ =	shalt  }
0x78: {  	_ =	shalt  }
0x79: {  	_ =	shalt  }
0x7a: {  	_ =	shalt  }
0x7b: {  	_ =	shalt  }
0x7c: {  	_ =	shalt  }
0x7d: {  	_ =	shalt  }
0x7e: {  	_ =	shalt  }
0x7f: {  	_ =	shalt  }
0x80: {  	_ =	shalt  }
0x81: {  	_ =	shalt  }
0x82: {  	_ =	shalt  }
0x83: {  	_ =	shalt  }
0x84: {  	_ =	shalt  }
0x85: {  	_ =	shalt  }
0x86: {  	_ =	shalt  }
0x87: {  	_ =	shalt  }
.Lfunc_end0:
.L_simem_size_0:
called_computation_lowered:
.L_overlay_start_0:
0x88: {  	s2 =	sld [smem:$0x3FD9]  }
0x89: {  	s3 =	sld [smem:$0x3FFE];
	_ =	sdelay $0x1  }
0x8a: {  	s1 =	srdreg.scid  }
0x8b: {  	s0 =	sand.u32 $0x1, s1  }
0x8c: {  	s17 =	sshll.u32 s0, $0xA;
	s2 =	sadd.s32 s3, s2  }
0x8d: {  	s2 =	sadd.s32 s2, s17  }
0x8e: {  	[smem:$0x3FC3] =	sst s2  }
0x8f: {  	_ = 	snop  }
0x90: {  	s2 =	sld [smem:$0x3FC8];
	(tm) =	ssettm $0x1  }
0x91: {  	s18 =	sld [smem:$0x3FFB];
	_ =	sdelay $0x3  }
0x92: {  	_ =	strace s18  }
0x93: {  	s3 =	sld [smem:$0x3FFC];
	_ =	sdelay $0x3  }
0x94: {  	_ =	strace s3  }
0x95: {  	s3 =	sld [smem:$0x3FFD];
	_ =	sdelay $0x3  }
0x96: {  	_ =	strace s3  }
0x97: {  	_ =	strace $0x8FFFFFFF  }
0x98: {  	s19 =	sld [smem:$0x3FDB];
	_ =	sdelay $0x1  }
0x99: {  	s4 =	simm.s32 $_scs_section_size  }
0x9a: {  	s5 =	simm.s32 $_size__tile_overlayer_lowered;
	s6 =	simm.s32 $_tile_overlayer_lowered  }
0x9b: {  	s22 =	simm.s32 $0x1BFF;
	s21 =	sshll.u32 s6, $0x1;
	s3 =	sadd.s32 s4, s19  }
0x9c: {  	s7 =	simm.s32 $0x0;
	s20 =	sshll.u32 s5, $0x1;
	s5 =	sadd.s32 s21, s3  }
0x9d: {  	[timem:s7], [sflag:s22] =	dma.local [hbm:s5], s20  }
0x9e: {  	_ =	swait.ge [sflag:s22], s20  }
0x9f: {  	s4 =	ssub.s32 $0x0, s20;
	[sflag:s22] =	ssyncset.done $0x0  }
0xa0: {  	[sflag:s22] =	ssyncadd.s32 s4;
	_ =	sdelay $0x1  }
0xa1: {  	s23 =	simm.s32 $0x1B8B  }
0xa2: {  	_ =	swait.ge [sflag:s23], $0x1  }
0xa3: {  	[sflag:s23] =	ssyncset.done $0x0  }
0xa4: {  	s25 =	simm.s32 $0x1B8E;
	s24 =	sld [smem:$0x3FFE];
	[sflag:s23] =	ssyncadd.s32 $0xFFFFFFFF  }
0xa5: {  	s26 =	simm.s32 $execute0_lowered;
	[smem:$0x3FD2] =	sst s25  }
0xa6: {  	s5 =	sshll.u32 s26, $0x1;
	_ =	strace $0x80000046;
	[dreg:$0x1] =	wrdreg $0xFFFFFFFF  }
0xa7: {  	s28 =	simm.s32 $_size_execute0_lowered;
	s3 =	sadd.s32 s3, s5;
	[dreg:$0x0] =	wrdreg $0x0  }
0xa8: {  	s5 =	sshll.u32 s28, $0x1;
	[dreg:$0x2] =	wrdreg s3  }
0xa9: {  	[dreg:$0x3] =	wrdreg s5  }
0xaa: {  	[dreg:$0x4] =	wrdreg $0xC0  }
0xab: {  	_ =	task [dreg:s7], $0x5FFFF  }
0xac: {  	[dreg:$0x1] =	wrdreg $0xFFFFFFFF  }
0xad: {  	[dreg:$0x0] =	wrdreg $0x60  }
0xae: {  	[dreg:$0x2] =	wrdreg s24  }
0xaf: {  	[dreg:$0x3] =	wrdreg s2  }
0xb0: {  	[dreg:$0x4] =	wrdreg $0x9  }
0xb1: {  	_ =	task.clear_ibuf [dreg:s7], $0x5FFFF;
	_ =	strace $0x90000046  }
0xb2: {  	s29 =	simm.s32 $0x9;
	_ =	strace $0x80000048  }
0xb3: {  	_ =	swait.ge [sflag:s29], $0x1  }
0xb4: {  	[sflag:s29] =	ssyncadd.s32 $0xFFFFFFFF  }
0xb5: {  	_ =	strace $0x90000048  }
0xb6: {  	_ =	sfence  }
0xb7: {  	s30 =	sld [smem:$0x0];
	_ =	sdelay $0x2  }
0xb8: {  	s31 =	sshll.u32 s1, $0xD;
	s1 =	sshrl.u32 s1, $0x2  }
0xb9: {  	s3 =	sand.u32 $0x4000, s31;
	s1 =	sadd.s32 s1, s30  }
0xba: {  	s0 =	sor.u32 s3, s0;
	s1 =	sshll.u32 s1, $0x11  }
0xbb: {  	s0 =	sor.u32 s1, s0  }
0xbc: {  	s0 =	sadd.s32 $0x8F2B, s0  }
0xbd: {  	[sflag:s0] =	ssyncadd.remote.s32 $0x1  }
0xbe: {  	_ =	sfence.sel $0xFFFF  }
0xbf: {  	[dreg:$0x0] =	wrdreg $0xFFFFFFFF;
	(pc) =	sbr.abs _section_cstart, $3  }
0xc0: {  	[dreg:$0x1] =	wrdreg $0xFFFFFFFF  }
0xc1: {  	_ =	task.clear_ibuf [dreg:s7], $0x2FFFF;
	_ =	strace $0x9FFFFFFF  }
0xc2: {  	(tm) =	ssettm $0x7FFFFFFF  }
0xc3: {  	_ =	shalt  }
tec
execute0_lowered:
.L_overlay_start_1:
0x0: {  	(tag) =	ssettag $0x1  }
0x1: {  	s6 =	rddreg [dreg:$0x0];
	s1 =	srdreg.scid  }
0x2: {  	s0 =	stileid.u32;
	s2 =	rddreg [dreg:$0x1]  }
0x3: {  	s3 =	simm.s32 $0x0;
	s14 =	simm.s32 $0x1400;
	s15 =	simm.s32 $0x2800  }
0x4: {  	s16 =	simm.s32 $0x3C00;
	s17 =	simm.s32 $0x3D00;
	s18 =	simm.s32 $0x3E00  }
0x5: {  	s19 =	simm.s32 $0x3F00;
	s20 =	simm.s32 $0x4000;
	s21 =	simm.s32 $0x0  }
0x6: {  	s7 =	sand.u32 $0x1, s1;
	s4 =	sshll.u32 s0, $0x1;
	s1 =	rddreg [dreg:$0x2]  }
0x7: {  	[smem:$0x7FF] =	sst s3;
	s12 =	smul.u32 $0x140, s0;
	s4 =	sor.u32 s7, s4  }
0x8: {  	s5 =	sadd.s32 $0x2E00, s6;
	s9 =	ssub.s32 $0x2, s7;
	s8 =	smul.u32 $0xA0, s4  }
0x9: {  	_ =	strace $0x80000047;
	s13 =	smul.u32 $0xA0, s7;
	s31 =	sshrl.u32 s9, $0x1  }
0xa: {  	s4 =	sadd.s32 $0x3200, s6;
	s11 =	ssub.s32 s9, s31;
	s8 =	sshrl.u32 s8, $0x3  }
0xb: {  	s12 =	sadd.s32 s13, s12;
	s13 =	simm.s32 $0x1;
	s10 =	sadd.s32 s8, s6  }
0xc: {  	s11 =	smax.u32 s11, $0x1;
	s6 =	sadd.s32 $0x3600, s10;
	s7 =	sadd.s32 $0x3A00, s10  }
0xd: {  	v0 =	vlaneseq.u32;
	s8 =	sadd.s32 $0x3E00, s10;
	s9 =	sadd.s32 $0x4200, s10;
	s10 =	sadd.s32 $0x4600, s10  }
.LBB2_1:
0xe: {  	[tilespmem:s3], [sflag:$0x1] =	stream.linear.gather [hbm4b:s2+s3], $0x1400, $0x38;
	[tilespmem:$0x4100] =	vst v63  }
0xf: {  	_ =	swait.ge [sflag:s13], $0x1400  }
0x10: {  	[sflag:s13] =	ssyncset.done $0x0  }
0x11: {  	[sflag:s13] =	ssyncadd.s32 $0xFFFFEC00  }
0x12: {  	[tilespmem:s14], [sflag:$0x1] =	stream.linear.gather [hbm4b:s4+s3], $0x1400, $0x38;
	[tilespmem:$0x4100] =	vst v63  }
0x13: {  	_ =	swait.ge [sflag:s13], $0x1400  }
0x14: {  	[sflag:s13] =	ssyncset.done $0x0  }
0x15: {  	[sflag:s13] =	ssyncadd.s32 $0xFFFFEC00  }
0x16: {  	[tilespmem:s15], [sflag:$0x1] =	stream.linear.gather [hbm4b:s5+s3], $0x1400, $0x38;
	[tilespmem:$0x4100] =	vst v63  }
0x17: {  	_ =	swait.ge [sflag:s13], $0x1400  }
0x18: {  	[sflag:s13] =	ssyncset.done $0x0  }
0x19: {  	[sflag:s13] =	ssyncadd.s32 $0xFFFFEC00  }
0x1a: {  	[tilespmem:s16], [sflag:$0x1] =	stream.linear.gather [hbm4b:s6+s3], $0xA0, $0x38;
	[tilespmem:$0x4100] =	vst v63  }
0x1b: {  	_ =	swait.ge [sflag:s13], $0xA0  }
0x1c: {  	[sflag:s13] =	ssyncset.done $0x0  }
0x1d: {  	[sflag:s13] =	ssyncadd.s32 $0xFFFFFF60  }
0x1e: {  	[tilespmem:s17], [sflag:$0x1] =	stream.linear.gather [hbm4b:s7+s3], $0xA0, $0x38;
	[tilespmem:$0x4100] =	vst v63  }
0x1f: {  	_ =	swait.ge [sflag:s13], $0xA0  }
0x20: {  	[sflag:s13] =	ssyncset.done $0x0  }
0x21: {  	s22 =	simm.s32 $0x0;
	[sflag:s13] =	ssyncadd.s32 $0xFFFFFF60  }
0x22: {  	v1 =	vld [tilespmem:s22+$0x3C00];
	_ =	sdelay $0x7  }
0x23: {  	v2 =	vld.idx.msk [tilespmem:v1+s3+$0x0], $0xffff  }
0x24: {  	v3 =	vld [tilespmem:s22+$0x3D00];
	_ =	sdelay $0x2  }
0x25: {  	v4 =	vor.u32 s12, v0  }
0x26: {  	vm0 =	veq.s32 v2, v4  }
0x27: {  	v2 =	vnsel vm0, $0xBF800000, v3  }
0x28: {  	[tilespmem:s22+$0x3E00] =	vst v2  }
0x29: {  	v2 =	vld.idx.msk [tilespmem:v1+s14+$0x0], $0xffff;
	_ =	sdelay $0x3  }
0x2a: {  	s25 =	simm.s32 $0x10;
	s24 =	simm.s32 $0x80;
	s23 =	smov.u32 s12  }
.LBB2_2:
0x2b: {  	p0 =	sne.s32 s24, $0x240;
	v3 =	vld [tilespmem:s25+$0x3C00];
	[tilespmem:s22+$0x3F00] =	vst v2  }
0x2c: {  	v2 =	vld.idx.msk [tilespmem:v1+s15+$0x0], $0xffff;
	_ =	sdelay $0x3  }
0x2d: {  	v1 =	vmov v3;
	_ =	sdelay $0x1  }
0x2e: {  	[tilespmem:s22+$0x4000] =	vst v2;
	s22 =	smov.u32 s25  }
0x2f: {  	v2 =	vld.idx.msk [tilespmem:v3+s3+$0x0], $0xffff;
	_ =	sdelay $0x1  }
0x30: {  	v3 =	vld [tilespmem:s22+$0x3D00];
	_ =	sdelay $0x1  }
0x31: {  	s23 =	sadd.s32 $0x10, s23  }
0x32: {  	v4 =	vor.u32 s23, v0  }
0x33: {  	vm0 =	veq.s32 v2, v4  }
0x34: {  	v2 =	vnsel vm0, $0xBF800000, v3  }
0x35: {  	[tilespmem:s22+$0x3E00] =	vst v2  }
0x36: {  	v2 =	vld.idx.msk [tilespmem:v1+s14+$0x0], $0xffff  }
.Ltmp0:
0x37: {  	(pc) =	sbr.rel @p0 .LBB2_2-.Ltmp0, $2  }
0x38: {  	_ =	sdelay $0x2  }
0x39: {  	s25 =	sshra.s32 s24, $0x2;
	s24 =	sadd.s32 $0x40, s24  }
0x3a: {  	_ =	sdelay $0x1  }
0x3b: {  	v3 =	vld [tilespmem:s25+$0x3C00]  }
0x3c: {  	[tilespmem:s22+$0x3F00] =	vst v2  }
0x3d: {  	v1 =	vld.idx.msk [tilespmem:v1+s15+$0x0], $0xffff;
	_ =	sdelay $0x4  }
0x3e: {  	[tilespmem:s22+$0x4000] =	vst v1  }
0x3f: {  	v1 =	vld.idx.msk [tilespmem:v3+s3+$0x0], $0xffff  }
0x40: {  	v2 =	vld [tilespmem:s25+$0x3D00];
	_ =	sdelay $0x1  }
0x41: {  	s31 =	sadd.s32 $0x10, s23  }
0x42: {  	v4 =	vor.u32 s31, v0  }
0x43: {  	vm0 =	veq.s32 v1, v4  }
0x44: {  	v1 =	vnsel vm0, $0xBF800000, v2  }
0x45: {  	[tilespmem:s25+$0x3E00] =	vst v1  }
0x46: {  	v1 =	vld.idx.msk [tilespmem:v3+s14+$0x0], $0xffff;
	_ =	sdelay $0x4  }
0x47: {  	[tilespmem:s25+$0x3F00] =	vst v1  }
0x48: {  	v1 =	vld.idx.msk [tilespmem:v3+s15+$0x0], $0xffff;
	_ =	sdelay $0x4  }
0x49: {  	[tilespmem:s25+$0x4000] =	vst v1  }
0x4a: {  	[hbm4b:s8+s3] =	stream.linear.scatter [tilespmem:s18], [sflag:$0x1], $0xA0, $0x38;
	[tilespmem:$0x4100] =	vst v63  }
0x4b: {  	_ =	swait.ge [sflag:s13], $0xA0  }
0x4c: {  	[sflag:s13] =	ssyncset.done $0x0  }
0x4d: {  	[sflag:s13] =	ssyncadd.s32 $0xFFFFFF60  }
0x4e: {  	[hbm4b:s9+s3] =	stream.linear.scatter [tilespmem:s19], [sflag:$0x1], $0xA0, $0x38;
	[tilespmem:$0x4100] =	vst v63  }
0x4f: {  	s21 =	sadd.s32 $0x1, s21;
	_ =	swait.ge [sflag:s13], $0xA0  }
0x50: {  	p0 =	sne.s32 s21, s11;
	[sflag:s13] =	ssyncset.done $0x0  }
.Ltmp1:
0x51: {  	[sflag:s13] =	ssyncadd.s32 $0xFFFFFF60;
	(pc) =	sbr.rel @p0 .LBB2_1-.Ltmp1, $4  }
0x52: {  	[hbm4b:s10+s3] =	stream.linear.scatter [tilespmem:s20], [sflag:$0x1], $0xA0, $0x38;
	[tilespmem:$0x4100] =	vst v63  }
0x53: {  	_ =	swait.ge [sflag:s13], $0xA0  }
0x54: {  	[sflag:s13] =	ssyncset.done $0x0  }
0x55: {  	[sflag:s13] =	ssyncadd.s32 $0xFFFFFF60  }
0x56: {  	_ =	sfence.sel $0x180000  }
0x57: {  	[bflag:$0x0] =	sbarrier.arrive $0xFFFF  }
0x58: {  	p0 =	sne.s32 s0, $0x0;
	_ =	strace $0x90000047  }
0x59: {  	s0 =	sadd.s32 @!p0 $0x100000, s1;
	[bflag:$0x2] =	sbarrier.arrive $0xFFFF  }
0x5a: {  	[sflag:s0] =	ssyncadd.tile.s32 @!p0 $0x1;
	_ =	shalt  }
.Lfunc_end2:
_tile_overlayer_lowered:
.L_overlay_start_2:
0x5b: {  	(tag) =	ssettag $0x2  }
0x5c: {  	s0 =	rddreg [dreg:$0x0];
	s2 =	stileid.u32  }
0x5d: {  	s1 =	rddreg [dreg:$0x1];
	p0 =	sne.s32 s2, $0x0  }
0x5e: {  	s3 =	rddreg [dreg:$0x2];
	[bflag:$0x3] =	sbarrier.arrive $0xFFFF;
	s2 =	simm.s32 @!p0 $0x1C01  }
0x5f: {  	[timem:s3], [sflag:s2] =	dma.local @!p0 [hbm:s0], s1  }
0x60: {  	s0 =	simm.s32 @!p0 $0x1  }
0x61: {  	_ =	swait.ge @!p0 [sflag:s0], s1  }
0x62: {  	s1 =	ssub.s32 @!p0 $0x0, s1;
	[sflag:s0] =	ssyncset.done @!p0 $0x0  }
0x63: {  	[sflag:s0] =	ssyncadd.s32 @!p0 s1  }
0x64: {  	[bflag:$0x3] =	sbarrier.arrive $0xFFFF  }
0x65: {  	_ =	shalt  }

</sc_bundles>
